<compile_context>
chip_gen: v7x
topology: tpu7x:2x2x1
jax: 0.10.2.dev20260603
libtpu: 0.0.44.dev20260713+nightly
codegen_flags: <defaults>
</compile_context>

<pallas_src>
import functools

import jax
import jax.numpy as jnp
from jax import lax
from jax.experimental import pallas as pl
from jax.experimental.pallas import tpu as pltpu
from jax.experimental.pallas import tpu_sc as plsc

N_NODES = 1000000
N_DIM = 16
BATCH = 16384

NC = 2
NS = 16
NW = NC * NS
BPW = BATCH // NW
ROWS = 2 * BPW
CHUNK = 128
GROUPS = BPW // 16

_mesh = plsc.VectorSubcoreMesh(core_axis_name="c", subcore_axis_name="s")


@functools.partial(
    pl.kernel,
    out_type=jax.ShapeDtypeStruct((BATCH,), jnp.float32),
    mesh=_mesh,
    compiler_params=pltpu.CompilerParams(
        needs_layout_passes=False, use_tc_tiling_on_sc=False),
    scratch_types=[
        pltpu.VMEM((ROWS,), jnp.int32),
        pltpu.VMEM((ROWS, N_DIM), jnp.float32),
        pltpu.VMEM((16 * 16,), jnp.float32),
        pltpu.VMEM((BPW,), jnp.float32),
        pltpu.SemaphoreType.DMA,
    ],
)
def _sc_inner(pairs_hbm, table_hbm, out_hbm, idx_v, rows_v, wbuf, inner_v,
              sem):
    wid = lax.axis_index("s") * NC + lax.axis_index("c")
    base = wid * ROWS
    pltpu.sync_copy(pairs_hbm.at[pl.ds(base, ROWS)], idx_v)
    copies = []
    for c in range(ROWS // CHUNK):
        copies.append(pltpu.async_copy(
            table_hbm.at[idx_v.at[pl.ds(c * CHUNK, CHUNK)]],
            rows_v.at[pl.ds(c * CHUNK, CHUNK)],
            sem,
        ))
    for cp in copies:
        cp.wait()

    iv = lax.iota(jnp.int32, 16)

    def group_body(g, _):
        for k in range(16):
            j = g * 16 + k
            prod = rows_v[2 * j] * rows_v[2 * j + 1]
            plsc.store_scatter(wbuf, [iv * 16 + k], prod)
        acc = -wbuf[pl.ds(0, 16)]
        for d in range(1, N_DIM):
            acc = acc + wbuf[pl.ds(d * 16, 16)]
        inner_v[pl.ds(g * 16, 16)] = acc
        return 0

    lax.fori_loop(0, GROUPS, group_body, 0)
    pltpu.sync_copy(inner_v, out_hbm.at[pl.ds(wid * BPW, BPW)])


def _loss_body(bg_ref, inner_ref, lab_ref, out_ref):
    inner = inner_ref[...]
    x = jnp.maximum(-inner, 1.0 + 1e-7)
    dist = jnp.log(x + jnp.sqrt((x - 1.0) * (x + 1.0)))
    z = bg_ref[0] * dist - bg_ref[1]
    t = jnp.log1p(jnp.exp(-jnp.abs(z)))
    out_ref[...] = t + jnp.where(
        lab_ref[...] == 1, jnp.maximum(z, 0.0), jnp.maximum(-z, 0.0))


_tc_loss = pl.pallas_call(
    _loss_body,
    out_shape=jax.ShapeDtypeStruct((128, 128), jnp.float32),
    in_specs=[
        pl.BlockSpec(memory_space=pltpu.SMEM),
        pl.BlockSpec(memory_space=pltpu.VMEM),
        pl.BlockSpec(memory_space=pltpu.VMEM),
    ],
    out_specs=pl.BlockSpec(memory_space=pltpu.VMEM),
)


def kernel(pairs, labels, table, beta, gamma):
    pairs_flat = pairs.astype(jnp.int32).reshape(-1)
    inner = _sc_inner(pairs_flat, table)
    bg = jnp.stack([beta, gamma]).astype(jnp.float32)
    loss = _tc_loss(bg, inner.reshape(128, 128),
                    labels.astype(jnp.int32).reshape(128, 128))
    return loss.reshape(-1)

# --- scband reference (transcript-rebuilt; emitter-appended) ---
"""Pipeline reference for scband-lorentz-58042188038241 (READ-ONLY COPY).

The authoritative reference and input builder live on the scoring server;
editing this copy changes nothing except your own understanding.
"""

import jax, jax.numpy as jnp
import numpy as np

N_NODES = 1000000
N_DIM = 16
BATCH = 16384


def h_dist(u, v):
    # Lorentzian inner product: -u0*v0 + <u_spatial, v_spatial>
    inner = -u[:, 0] * v[:, 0] + jnp.sum(u[:, 1:] * v[:, 1:], axis=1)
    x = jnp.maximum(-inner, 1.0 + 1e-7)
    return jnp.arccosh(x)


def setup_inputs(seed: int = 0) -> dict:
    key = jax.random.key(seed)
    k1, k2, k3 = jax.random.split(key, 3)
    pairs = jax.random.randint(k1, (BATCH, 2), 0, N_NODES)
    labels = jax.random.randint(k2, (BATCH,), 0, 2)
    # Embedding table constrained to the hyperboloid: x0 = sqrt(1 + ||x_spatial||^2)
    spatial = 0.01 * jax.random.normal(k3, (N_NODES, N_DIM - 1), dtype=jnp.float32)
    x0 = jnp.sqrt(1.0 + jnp.sum(spatial ** 2, axis=1, keepdims=True))
    table = jnp.concatenate([x0, spatial], axis=1)
    beta = jnp.asarray(1.0, dtype=jnp.float32)
    gamma = jnp.asarray(10.0, dtype=jnp.float32)
    return {"pairs": pairs, "labels": labels, "table": table, "beta": beta, "gamma": gamma}


def reference(pairs, labels, table, beta, gamma):
    # lik_y_given_z: gather embeddings for both endpoints of each pair
    us = jnp.take(table, pairs[:, 0], axis=0)
    vs = jnp.take(table, pairs[:, 1], axis=0)
    dist = h_dist(us, vs)
    lf = labels.astype(jnp.float32)
    zero = jnp.zeros_like(dist)
    pos = jnp.logaddexp(zero, beta * dist - gamma)
    neg = jnp.logaddexp(zero, -beta * dist + gamma)
    loss = jnp.where(lf == 1.0, pos, neg)
    # calc_latent=False -> no latent likelihood term
    return loss

if __name__ == "__main__":
    import jax
    _d = setup_inputs()
    print(jax.jit(kernel)(*tuple(_d.values())))

</pallas_src>

<mosaic_0001>
#map = affine_map<(d0, d1) -> (0)>
#map1 = affine_map<(d0, d1) -> (0, 0)>
module attributes {stable_mosaic.version = 14 : i64} {
  func.func @_sc_inner(%arg0: i32, %arg1: i32, %arg2: memref<32768xi32, #tpu.memory_space<hbm>>, %arg3: memref<1000000x16xf32, #tpu.memory_space<hbm>>, %arg4: memref<16384xf32, #tpu.memory_space<hbm>>, %arg5: memref<1024xi32, #tpu.memory_space<vmem>>, %arg6: memref<1024x16xf32, #tpu.memory_space<vmem>>, %arg7: memref<256xf32, #tpu.memory_space<vmem>>, %arg8: memref<512xf32, #tpu.memory_space<vmem>>, %arg9: memref<!tpu.dma_semaphore, #tpu.memory_space<semaphore_mem>>) attributes {dimension_semantics = [#tpu.dimension_semantics<core_parallel>, #tpu.dimension_semantics<subcore_parallel>], iteration_bounds = array<i64: 2, 16>, scalar_prefetch = 0 : i64, scratch_operands = 5 : i64, tpu.core_type = #tpu.core_type<sc_vector_subcore>, window_params = [{transform_indices = #map}, {transform_indices = #map1}, {transform_indices = #map}]} {
    %mul3A = arith.constant 2 : i32
    %mul3A_0 = arith.muli %arg1, %mul3A : i32
    %add3A = arith.addi %mul3A_0, %arg0 : i32
    %mul3A_1 = arith.constant 1024 : i32
    %mul3A_2 = arith.muli %add3A, %mul3A_1 : i32
    "tpu.region"() ({
      %run_scoped3A = tpu.sem_alloc : memref<!tpu.dma_semaphore, #tpu.memory_space<semaphore_mem>>
      %dma_start3A_137 = tpu.memref_slice %arg2[%mul3A_2] : memref<32768xi32, #tpu.memory_space<hbm>> -> memref<1024xi32, #tpu.memory_space<hbm>>
      %dma_start3A_138 = tpu.memref_slice %arg2[%mul3A_2] : memref<32768xi32, #tpu.memory_space<hbm>> -> memref<1024xi32, #tpu.memory_space<hbm>>
      tpu.enqueue_dma source(%dma_start3A_138 : memref<1024xi32, #tpu.memory_space<hbm>>) target(%arg5 : memref<1024xi32, #tpu.memory_space<vmem>>) target_semaphore(%run_scoped3A : memref<!tpu.dma_semaphore, #tpu.memory_space<semaphore_mem>>)
      %dma_wait3A_139 = tpu.memref_slice %arg2[%mul3A_2] : memref<32768xi32, #tpu.memory_space<hbm>> -> memref<1024xi32, #tpu.memory_space<hbm>>
      %dma_wait3A_140 = tpu.memref_slice %arg2[%mul3A_2] : memref<32768xi32, #tpu.memory_space<hbm>> -> memref<1024xi32, #tpu.memory_space<hbm>>
      tpu.wait_dma2 semaphore(%run_scoped3A : memref<!tpu.dma_semaphore, #tpu.memory_space<semaphore_mem>>) src(%dma_wait3A_140 : memref<1024xi32, #tpu.memory_space<hbm>>) dst(%arg5 : memref<1024xi32, #tpu.memory_space<vmem>>)
      tpu.yield
    }) : () -> ()
    %dma_start3A = arith.constant 0 : i32
    %dma_start3A_3 = arith.constant 0 : i32
    %dma_start3A_4 = tpu.memref_slice %arg6[%dma_start3A, %dma_start3A_3] : memref<1024x16xf32, #tpu.memory_space<vmem>> -> memref<128x16xf32, #tpu.memory_space<vmem>>
    %dma_start3A_5 = arith.constant 0 : i32
    %dma_start3A_6 = tpu.memref_slice %arg5[%dma_start3A_5] : memref<1024xi32, #tpu.memory_space<vmem>> -> memref<128xi32, #tpu.memory_space<vmem>>
    %dma_start3A_7 = arith.constant 0 : i32
    %dma_start3A_8 = arith.constant 0 : i32
    %dma_start3A_9 = tpu.memref_slice %arg3[%dma_start3A_7, %dma_start3A_8] : memref<1000000x16xf32, #tpu.memory_space<hbm>> -> memref<1000000x16xf32, #tpu.memory_space<hbm>>
    tpu.enqueue_indirect_dma source(%dma_start3A_9 : memref<1000000x16xf32, #tpu.memory_space<hbm>>) target(%dma_start3A_4 : memref<128x16xf32, #tpu.memory_space<vmem>>) offsets(%dma_start3A_6 : memref<128xi32, #tpu.memory_space<vmem>>) semaphore(%arg9 : memref<!tpu.dma_semaphore, #tpu.memory_space<semaphore_mem>>)
    %dma_start3A_10 = arith.constant 128 : i32
    %dma_start3A_11 = arith.constant 0 : i32
    %dma_start3A_12 = tpu.memref_slice %arg6[%dma_start3A_10, %dma_start3A_11] : memref<1024x16xf32, #tpu.memory_space<vmem>> -> memref<128x16xf32, #tpu.memory_space<vmem>>
    %dma_start3A_13 = arith.constant 128 : i32
    %dma_start3A_14 = tpu.memref_slice %arg5[%dma_start3A_13] : memref<1024xi32, #tpu.memory_space<vmem>> -> memref<128xi32, #tpu.memory_space<vmem>>
    %dma_start3A_15 = arith.constant 0 : i32
    %dma_start3A_16 = arith.constant 0 : i32
    %dma_start3A_17 = tpu.memref_slice %arg3[%dma_start3A_15, %dma_start3A_16] : memref<1000000x16xf32, #tpu.memory_space<hbm>> -> memref<1000000x16xf32, #tpu.memory_space<hbm>>
    tpu.enqueue_indirect_dma source(%dma_start3A_17 : memref<1000000x16xf32, #tpu.memory_space<hbm>>) target(%dma_start3A_12 : memref<128x16xf32, #tpu.memory_space<vmem>>) offsets(%dma_start3A_14 : memref<128xi32, #tpu.memory_space<vmem>>) semaphore(%arg9 : memref<!tpu.dma_semaphore, #tpu.memory_space<semaphore_mem>>)
    %dma_start3A_18 = arith.constant 256 : i32
    %dma_start3A_19 = arith.constant 0 : i32
    %dma_start3A_20 = tpu.memref_slice %arg6[%dma_start3A_18, %dma_start3A_19] : memref<1024x16xf32, #tpu.memory_space<vmem>> -> memref<128x16xf32, #tpu.memory_space<vmem>>
    %dma_start3A_21 = arith.constant 256 : i32
    %dma_start3A_22 = tpu.memref_slice %arg5[%dma_start3A_21] : memref<1024xi32, #tpu.memory_space<vmem>> -> memref<128xi32, #tpu.memory_space<vmem>>
    %dma_start3A_23 = arith.constant 0 : i32
    %dma_start3A_24 = arith.constant 0 : i32
    %dma_start3A_25 = tpu.memref_slice %arg3[%dma_start3A_23, %dma_start3A_24] : memref<1000000x16xf32, #tpu.memory_space<hbm>> -> memref<1000000x16xf32, #tpu.memory_space<hbm>>
    tpu.enqueue_indirect_dma source(%dma_start3A_25 : memref<1000000x16xf32, #tpu.memory_space<hbm>>) target(%dma_start3A_20 : memref<128x16xf32, #tpu.memory_space<vmem>>) offsets(%dma_start3A_22 : memref<128xi32, #tpu.memory_space<vmem>>) semaphore(%arg9 : memref<!tpu.dma_semaphore, #tpu.memory_space<semaphore_mem>>)
    %dma_start3A_26 = arith.constant 384 : i32
    %dma_start3A_27 = arith.constant 0 : i32
    %dma_start3A_28 = tpu.memref_slice %arg6[%dma_start3A_26, %dma_start3A_27] : memref<1024x16xf32, #tpu.memory_space<vmem>> -> memref<128x16xf32, #tpu.memory_space<vmem>>
    %dma_start3A_29 = arith.constant 384 : i32
    %dma_start3A_30 = tpu.memref_slice %arg5[%dma_start3A_29] : memref<1024xi32, #tpu.memory_space<vmem>> -> memref<128xi32, #tpu.memory_space<vmem>>
    %dma_start3A_31 = arith.constant 0 : i32
    %dma_start3A_32 = arith.constant 0 : i32
    %dma_start3A_33 = tpu.memref_slice %arg3[%dma_start3A_31, %dma_start3A_32] : memref<1000000x16xf32, #tpu.memory_space<hbm>> -> memref<1000000x16xf32, #tpu.memory_space<hbm>>
    tpu.enqueue_indirect_dma source(%dma_start3A_33 : memref<1000000x16xf32, #tpu.memory_space<hbm>>) target(%dma_start3A_28 : memref<128x16xf32, #tpu.memory_space<vmem>>) offsets(%dma_start3A_30 : memref<128xi32, #tpu.memory_space<vmem>>) semaphore(%arg9 : memref<!tpu.dma_semaphore, #tpu.memory_space<semaphore_mem>>)
    %dma_start3A_34 = arith.constant 512 : i32
    %dma_start3A_35 = arith.constant 0 : i32
    %dma_start3A_36 = tpu.memref_slice %arg6[%dma_start3A_34, %dma_start3A_35] : memref<1024x16xf32, #tpu.memory_space<vmem>> -> memref<128x16xf32, #tpu.memory_space<vmem>>
    %dma_start3A_37 = arith.constant 512 : i32
    %dma_start3A_38 = tpu.memref_slice %arg5[%dma_start3A_37] : memref<1024xi32, #tpu.memory_space<vmem>> -> memref<128xi32, #tpu.memory_space<vmem>>
    %dma_start3A_39 = arith.constant 0 : i32
    %dma_start3A_40 = arith.constant 0 : i32
    %dma_start3A_41 = tpu.memref_slice %arg3[%dma_start3A_39, %dma_start3A_40] : memref<1000000x16xf32, #tpu.memory_space<hbm>> -> memref<1000000x16xf32, #tpu.memory_space<hbm>>
    tpu.enqueue_indirect_dma source(%dma_start3A_41 : memref<1000000x16xf32, #tpu.memory_space<hbm>>) target(%dma_start3A_36 : memref<128x16xf32, #tpu.memory_space<vmem>>) offsets(%dma_start3A_38 : memref<128xi32, #tpu.memory_space<vmem>>) semaphore(%arg9 : memref<!tpu.dma_semaphore, #tpu.memory_space<semaphore_mem>>)
    %dma_start3A_42 = arith.constant 640 : i32
    %dma_start3A_43 = arith.constant 0 : i32
    %dma_start3A_44 = tpu.memref_slice %arg6[%dma_start3A_42, %dma_start3A_43] : memref<1024x16xf32, #tpu.memory_space<vmem>> -> memref<128x16xf32, #tpu.memory_space<vmem>>
    %dma_start3A_45 = arith.constant 640 : i32
    %dma_start3A_46 = tpu.memref_slice %arg5[%dma_start3A_45] : memref<1024xi32, #tpu.memory_space<vmem>> -> memref<128xi32, #tpu.memory_space<vmem>>
    %dma_start3A_47 = arith.constant 0 : i32
    %dma_start3A_48 = arith.constant 0 : i32
    %dma_start3A_49 = tpu.memref_slice %arg3[%dma_start3A_47, %dma_start3A_48] : memref<1000000x16xf32, #tpu.memory_space<hbm>> -> memref<1000000x16xf32, #tpu.memory_space<hbm>>
    tpu.enqueue_indirect_dma source(%dma_start3A_49 : memref<1000000x16xf32, #tpu.memory_space<hbm>>) target(%dma_start3A_44 : memref<128x16xf32, #tpu.memory_space<vmem>>) offsets(%dma_start3A_46 : memref<128xi32, #tpu.memory_space<vmem>>) semaphore(%arg9 : memref<!tpu.dma_semaphore, #tpu.memory_space<semaphore_mem>>)
    %dma_start3A_50 = arith.constant 768 : i32
    %dma_start3A_51 = arith.constant 0 : i32
    %dma_start3A_52 = tpu.memref_slice %arg6[%dma_start3A_50, %dma_start3A_51] : memref<1024x16xf32, #tpu.memory_space<vmem>> -> memref<128x16xf32, #tpu.memory_space<vmem>>
    %dma_start3A_53 = arith.constant 768 : i32
    %dma_start3A_54 = tpu.memref_slice %arg5[%dma_start3A_53] : memref<1024xi32, #tpu.memory_space<vmem>> -> memref<128xi32, #tpu.memory_space<vmem>>
    %dma_start3A_55 = arith.constant 0 : i32
    %dma_start3A_56 = arith.constant 0 : i32
    %dma_start3A_57 = tpu.memref_slice %arg3[%dma_start3A_55, %dma_start3A_56] : memref<1000000x16xf32, #tpu.memory_space<hbm>> -> memref<1000000x16xf32, #tpu.memory_space<hbm>>
    tpu.enqueue_indirect_dma source(%dma_start3A_57 : memref<1000000x16xf32, #tpu.memory_space<hbm>>) target(%dma_start3A_52 : memref<128x16xf32, #tpu.memory_space<vmem>>) offsets(%dma_start3A_54 : memref<128xi32, #tpu.memory_space<vmem>>) semaphore(%arg9 : memref<!tpu.dma_semaphore, #tpu.memory_space<semaphore_mem>>)
    %dma_start3A_58 = arith.constant 896 : i32
    %dma_start3A_59 = arith.constant 0 : i32
    %dma_start3A_60 = tpu.memref_slice %arg6[%dma_start3A_58, %dma_start3A_59] : memref<1024x16xf32, #tpu.memory_space<vmem>> -> memref<128x16xf32, #tpu.memory_space<vmem>>
    %dma_start3A_61 = arith.constant 896 : i32
    %dma_start3A_62 = tpu.memref_slice %arg5[%dma_start3A_61] : memref<1024xi32, #tpu.memory_space<vmem>> -> memref<128xi32, #tpu.memory_space<vmem>>
    %dma_start3A_63 = arith.constant 0 : i32
    %dma_start3A_64 = arith.constant 0 : i32
    %dma_start3A_65 = tpu.memref_slice %arg3[%dma_start3A_63, %dma_start3A_64] : memref<1000000x16xf32, #tpu.memory_space<hbm>> -> memref<1000000x16xf32, #tpu.memory_space<hbm>>
    tpu.enqueue_indirect_dma source(%dma_start3A_65 : memref<1000000x16xf32, #tpu.memory_space<hbm>>) target(%dma_start3A_60 : memref<128x16xf32, #tpu.memory_space<vmem>>) offsets(%dma_start3A_62 : memref<128xi32, #tpu.memory_space<vmem>>) semaphore(%arg9 : memref<!tpu.dma_semaphore, #tpu.memory_space<semaphore_mem>>)
    %dma_wait3A = arith.constant 0 : i32
    %dma_wait3A_66 = arith.constant 0 : i32
    %dma_wait3A_67 = tpu.memref_slice %arg6[%dma_wait3A, %dma_wait3A_66] : memref<1024x16xf32, #tpu.memory_space<vmem>> -> memref<128x16xf32, #tpu.memory_space<vmem>>
    %dma_wait3A_68 = arith.constant 0 : i32
    %dma_wait3A_69 = tpu.memref_slice %arg5[%dma_wait3A_68] : memref<1024xi32, #tpu.memory_space<vmem>> -> memref<128xi32, #tpu.memory_space<vmem>>
    %dma_wait3A_70 = arith.constant 0 : i32
    %dma_wait3A_71 = arith.constant 0 : i32
    %dma_wait3A_72 = tpu.memref_slice %arg3[%dma_wait3A_70, %dma_wait3A_71] : memref<1000000x16xf32, #tpu.memory_space<hbm>> -> memref<1000000x16xf32, #tpu.memory_space<hbm>>
    tpu.wait_indirect_dma semaphore(%arg9 : memref<!tpu.dma_semaphore, #tpu.memory_space<semaphore_mem>>) src(%dma_wait3A_72 : memref<1000000x16xf32, #tpu.memory_space<hbm>>) dst(%dma_wait3A_67 : memref<128x16xf32, #tpu.memory_space<vmem>>)
    %dma_wait3A_73 = arith.constant 128 : i32
    %dma_wait3A_74 = arith.constant 0 : i32
    %dma_wait3A_75 = tpu.memref_slice %arg6[%dma_wait3A_73, %dma_wait3A_74] : memref<1024x16xf32, #tpu.memory_space<vmem>> -> memref<128x16xf32, #tpu.memory_space<vmem>>
    %dma_wait3A_76 = arith.constant 128 : i32
    %dma_wait3A_77 = tpu.memref_slice %arg5[%dma_wait3A_76] : memref<1024xi32, #tpu.memory_space<vmem>> -> memref<128xi32, #tpu.memory_space<vmem>>
    %dma_wait3A_78 = arith.constant 0 : i32
    %dma_wait3A_79 = arith.constant 0 : i32
    %dma_wait3A_80 = tpu.memref_slice %arg3[%dma_wait3A_78, %dma_wait3A_79] : memref<1000000x16xf32, #tpu.memory_space<hbm>> -> memref<1000000x16xf32, #tpu.memory_space<hbm>>
    tpu.wait_indirect_dma semaphore(%arg9 : memref<!tpu.dma_semaphore, #tpu.memory_space<semaphore_mem>>) src(%dma_wait3A_80 : memref<1000000x16xf32, #tpu.memory_space<hbm>>) dst(%dma_wait3A_75 : memref<128x16xf32, #tpu.memory_space<vmem>>)
    %dma_wait3A_81 = arith.constant 256 : i32
    %dma_wait3A_82 = arith.constant 0 : i32
    %dma_wait3A_83 = tpu.memref_slice %arg6[%dma_wait3A_81, %dma_wait3A_82] : memref<1024x16xf32, #tpu.memory_space<vmem>> -> memref<128x16xf32, #tpu.memory_space<vmem>>
    %dma_wait3A_84 = arith.constant 256 : i32
    %dma_wait3A_85 = tpu.memref_slice %arg5[%dma_wait3A_84] : memref<1024xi32, #tpu.memory_space<vmem>> -> memref<128xi32, #tpu.memory_space<vmem>>
    %dma_wait3A_86 = arith.constant 0 : i32
    %dma_wait3A_87 = arith.constant 0 : i32
    %dma_wait3A_88 = tpu.memref_slice %arg3[%dma_wait3A_86, %dma_wait3A_87] : memref<1000000x16xf32, #tpu.memory_space<hbm>> -> memref<1000000x16xf32, #tpu.memory_space<hbm>>
    tpu.wait_indirect_dma semaphore(%arg9 : memref<!tpu.dma_semaphore, #tpu.memory_space<semaphore_mem>>) src(%dma_wait3A_88 : memref<1000000x16xf32, #tpu.memory_space<hbm>>) dst(%dma_wait3A_83 : memref<128x16xf32, #tpu.memory_space<vmem>>)
    %dma_wait3A_89 = arith.constant 384 : i32
    %dma_wait3A_90 = arith.constant 0 : i32
    %dma_wait3A_91 = tpu.memref_slice %arg6[%dma_wait3A_89, %dma_wait3A_90] : memref<1024x16xf32, #tpu.memory_space<vmem>> -> memref<128x16xf32, #tpu.memory_space<vmem>>
    %dma_wait3A_92 = arith.constant 384 : i32
    %dma_wait3A_93 = tpu.memref_slice %arg5[%dma_wait3A_92] : memref<1024xi32, #tpu.memory_space<vmem>> -> memref<128xi32, #tpu.memory_space<vmem>>
    %dma_wait3A_94 = arith.constant 0 : i32
    %dma_wait3A_95 = arith.constant 0 : i32
    %dma_wait3A_96 = tpu.memref_slice %arg3[%dma_wait3A_94, %dma_wait3A_95] : memref<1000000x16xf32, #tpu.memory_space<hbm>> -> memref<1000000x16xf32, #tpu.memory_space<hbm>>
    tpu.wait_indirect_dma semaphore(%arg9 : memref<!tpu.dma_semaphore, #tpu.memory_space<semaphore_mem>>) src(%dma_wait3A_96 : memref<1000000x16xf32, #tpu.memory_space<hbm>>) dst(%dma_wait3A_91 : memref<128x16xf32, #tpu.memory_space<vmem>>)
    %dma_wait3A_97 = arith.constant 512 : i32
    %dma_wait3A_98 = arith.constant 0 : i32
    %dma_wait3A_99 = tpu.memref_slice %arg6[%dma_wait3A_97, %dma_wait3A_98] : memref<1024x16xf32, #tpu.memory_space<vmem>> -> memref<128x16xf32, #tpu.memory_space<vmem>>
    %dma_wait3A_100 = arith.constant 512 : i32
    %dma_wait3A_101 = tpu.memref_slice %arg5[%dma_wait3A_100] : memref<1024xi32, #tpu.memory_space<vmem>> -> memref<128xi32, #tpu.memory_space<vmem>>
    %dma_wait3A_102 = arith.constant 0 : i32
    %dma_wait3A_103 = arith.constant 0 : i32
    %dma_wait3A_104 = tpu.memref_slice %arg3[%dma_wait3A_102, %dma_wait3A_103] : memref<1000000x16xf32, #tpu.memory_space<hbm>> -> memref<1000000x16xf32, #tpu.memory_space<hbm>>
    tpu.wait_indirect_dma semaphore(%arg9 : memref<!tpu.dma_semaphore, #tpu.memory_space<semaphore_mem>>) src(%dma_wait3A_104 : memref<1000000x16xf32, #tpu.memory_space<hbm>>) dst(%dma_wait3A_99 : memref<128x16xf32, #tpu.memory_space<vmem>>)
    %dma_wait3A_105 = arith.constant 640 : i32
    %dma_wait3A_106 = arith.constant 0 : i32
    %dma_wait3A_107 = tpu.memref_slice %arg6[%dma_wait3A_105, %dma_wait3A_106] : memref<1024x16xf32, #tpu.memory_space<vmem>> -> memref<128x16xf32, #tpu.memory_space<vmem>>
    %dma_wait3A_108 = arith.constant 640 : i32
    %dma_wait3A_109 = tpu.memref_slice %arg5[%dma_wait3A_108] : memref<1024xi32, #tpu.memory_space<vmem>> -> memref<128xi32, #tpu.memory_space<vmem>>
    %dma_wait3A_110 = arith.constant 0 : i32
    %dma_wait3A_111 = arith.constant 0 : i32
    %dma_wait3A_112 = tpu.memref_slice %arg3[%dma_wait3A_110, %dma_wait3A_111] : memref<1000000x16xf32, #tpu.memory_space<hbm>> -> memref<1000000x16xf32, #tpu.memory_space<hbm>>
    tpu.wait_indirect_dma semaphore(%arg9 : memref<!tpu.dma_semaphore, #tpu.memory_space<semaphore_mem>>) src(%dma_wait3A_112 : memref<1000000x16xf32, #tpu.memory_space<hbm>>) dst(%dma_wait3A_107 : memref<128x16xf32, #tpu.memory_space<vmem>>)
    %dma_wait3A_113 = arith.constant 768 : i32
    %dma_wait3A_114 = arith.constant 0 : i32
    %dma_wait3A_115 = tpu.memref_slice %arg6[%dma_wait3A_113, %dma_wait3A_114] : memref<1024x16xf32, #tpu.memory_space<vmem>> -> memref<128x16xf32, #tpu.memory_space<vmem>>
    %dma_wait3A_116 = arith.constant 768 : i32
    %dma_wait3A_117 = tpu.memref_slice %arg5[%dma_wait3A_116] : memref<1024xi32, #tpu.memory_space<vmem>> -> memref<128xi32, #tpu.memory_space<vmem>>
    %dma_wait3A_118 = arith.constant 0 : i32
    %dma_wait3A_119 = arith.constant 0 : i32
    %dma_wait3A_120 = tpu.memref_slice %arg3[%dma_wait3A_118, %dma_wait3A_119] : memref<1000000x16xf32, #tpu.memory_space<hbm>> -> memref<1000000x16xf32, #tpu.memory_space<hbm>>
    tpu.wait_indirect_dma semaphore(%arg9 : memref<!tpu.dma_semaphore, #tpu.memory_space<semaphore_mem>>) src(%dma_wait3A_120 : memref<1000000x16xf32, #tpu.memory_space<hbm>>) dst(%dma_wait3A_115 : memref<128x16xf32, #tpu.memory_space<vmem>>)
    %dma_wait3A_121 = arith.constant 896 : i32
    %dma_wait3A_122 = arith.constant 0 : i32
    %dma_wait3A_123 = tpu.memref_slice %arg6[%dma_wait3A_121, %dma_wait3A_122] : memref<1024x16xf32, #tpu.memory_space<vmem>> -> memref<128x16xf32, #tpu.memory_space<vmem>>
    %dma_wait3A_124 = arith.constant 896 : i32
    %dma_wait3A_125 = tpu.memref_slice %arg5[%dma_wait3A_124] : memref<1024xi32, #tpu.memory_space<vmem>> -> memref<128xi32, #tpu.memory_space<vmem>>
    %dma_wait3A_126 = arith.constant 0 : i32
    %dma_wait3A_127 = arith.constant 0 : i32
    %dma_wait3A_128 = tpu.memref_slice %arg3[%dma_wait3A_126, %dma_wait3A_127] : memref<1000000x16xf32, #tpu.memory_space<hbm>> -> memref<1000000x16xf32, #tpu.memory_space<hbm>>
    tpu.wait_indirect_dma semaphore(%arg9 : memref<!tpu.dma_semaphore, #tpu.memory_space<semaphore_mem>>) src(%dma_wait3A_128 : memref<1000000x16xf32, #tpu.memory_space<hbm>>) dst(%dma_wait3A_123 : memref<128x16xf32, #tpu.memory_space<vmem>>)
    %iota3A = tpu.iota {dimensions = array<i32: 0>} : vector<16xi32>
    %scan3A = arith.constant 0 : i32
    %scan3A_129 = arith.constant 0 : i32
    %scan3A_130 = arith.constant 32 : i32
    %scan3A_131 = arith.addi %scan3A_129, %scan3A_130 : i32
    %scan3A_132 = arith.constant 1 : i32
    %scan3A_133 = scf.for %scan3A_137 = %scan3A_129 to %scan3A_131 step %scan3A_132 iter_args(%scan3A_138 = %scan3A) -> (i32)  : i32 {
      %mul3A_139 = arith.constant 16 : i32
      %mul3A_140 = arith.muli %scan3A_137, %mul3A_139 : i32
      %add3A_141 = arith.constant 0 : i32
      %add3A_142 = arith.addi %mul3A_140, %add3A_141 : i32
      %mul3A_143 = arith.constant 2 : i32
      %mul3A_144 = arith.muli %mul3A_143, %add3A_142 : i32
      %get3A = arith.index_cast %mul3A_144 : i32 to index
      %get3A_145 = arith.constant 0 : index
      %get3A_146 = tpu.vector_load %arg6[%get3A, %get3A_145] {strides = array<i32>} : memref<1024x16xf32, #tpu.memory_space<vmem>>, vector<16xf32>,
      %mul3A_147 = arith.constant 2 : i32
      %mul3A_148 = arith.muli %mul3A_147, %add3A_142 : i32
      %add3A_149 = arith.constant 1 : i32
      %add3A_150 = arith.addi %mul3A_148, %add3A_149 : i32
      %get3A_151 = arith.index_cast %add3A_150 : i32 to index
      %get3A_152 = arith.constant 0 : index
      %get3A_153 = tpu.vector_load %arg6[%get3A_151, %get3A_152] {strides = array<i32>} : memref<1024x16xf32, #tpu.memory_space<vmem>>, vector<16xf32>,
      %mul3A_154 = arith.mulf %get3A_146, %get3A_153 : vector<16xf32>
      %mul3A_155 = arith.constant 16 : i32
      %mul3A_156 = vector.broadcast %mul3A_155 : i32 to vector<16xi32>
      %mul3A_157 = arith.muli %iota3A, %mul3A_156 : vector<16xi32>
      %add3A_158 = arith.constant 0 : i32
      %add3A_159 = vector.broadcast %add3A_158 : i32 to vector<16xi32>
      %add3A_160 = arith.addi %mul3A_157, %add3A_159 : vector<16xi32>
      tpu.vector_store_idx %arg7[%add3A_160], %mul3A_154 : memref<256xf32, #tpu.memory_space<vmem>>[vector<16xi32>], vector<16xf32>,
      %mul3A_161 = arith.constant 16 : i32
      %mul3A_162 = arith.muli %scan3A_137, %mul3A_161 : i32
      %add3A_163 = arith.constant 1 : i32
      %add3A_164 = arith.addi %mul3A_162, %add3A_163 : i32
      %mul3A_165 = arith.constant 2 : i32
      %mul3A_166 = arith.muli %mul3A_165, %add3A_164 : i32
      %get3A_167 = arith.index_cast %mul3A_166 : i32 to index
      %get3A_168 = arith.constant 0 : index
      %get3A_169 = tpu.vector_load %arg6[%get3A_167, %get3A_168] {strides = array<i32>} : memref<1024x16xf32, #tpu.memory_space<vmem>>, vector<16xf32>,
      %mul3A_170 = arith.constant 2 : i32
      %mul3A_171 = arith.muli %mul3A_170, %add3A_164 : i32
      %add3A_172 = arith.constant 1 : i32
      %add3A_173 = arith.addi %mul3A_171, %add3A_172 : i32
      %get3A_174 = arith.index_cast %add3A_173 : i32 to index
      %get3A_175 = arith.constant 0 : index
      %get3A_176 = tpu.vector_load %arg6[%get3A_174, %get3A_175] {strides = array<i32>} : memref<1024x16xf32, #tpu.memory_space<vmem>>, vector<16xf32>,
      %mul3A_177 = arith.mulf %get3A_169, %get3A_176 : vector<16xf32>
      %mul3A_178 = arith.constant 16 : i32
      %mul3A_179 = vector.broadcast %mul3A_178 : i32 to vector<16xi32>
      %mul3A_180 = arith.muli %iota3A, %mul3A_179 : vector<16xi32>
      %add3A_181 = arith.constant 1 : i32
      %add3A_182 = vector.broadcast %add3A_181 : i32 to vector<16xi32>
      %add3A_183 = arith.addi %mul3A_180, %add3A_182 : vector<16xi32>
      tpu.vector_store_idx %arg7[%add3A_183], %mul3A_177 : memref<256xf32, #tpu.memory_space<vmem>>[vector<16xi32>], vector<16xf32>,
      %mul3A_184 = arith.constant 16 : i32
      %mul3A_185 = arith.muli %scan3A_137, %mul3A_184 : i32
      %add3A_186 = arith.constant 2 : i32
      %add3A_187 = arith.addi %mul3A_185, %add3A_186 : i32
      %mul3A_188 = arith.constant 2 : i32
      %mul3A_189 = arith.muli %mul3A_188, %add3A_187 : i32
      %get3A_190 = arith.index_cast %mul3A_189 : i32 to index
      %get3A_191 = arith.constant 0 : index
      %get3A_192 = tpu.vector_load %arg6[%get3A_190, %get3A_191] {strides = array<i32>} : memref<1024x16xf32, #tpu.memory_space<vmem>>, vector<16xf32>,
      %mul3A_193 = arith.constant 2 : i32
      %mul3A_194 = arith.muli %mul3A_193, %add3A_187 : i32
      %add3A_195 = arith.constant 1 : i32
      %add3A_196 = arith.addi %mul3A_194, %add3A_195 : i32
      %get3A_197 = arith.index_cast %add3A_196 : i32 to index
      %get3A_198 = arith.constant 0 : index
      %get3A_199 = tpu.vector_load %arg6[%get3A_197, %get3A_198] {strides = array<i32>} : memref<1024x16xf32, #tpu.memory_space<vmem>>, vector<16xf32>,
      %mul3A_200 = arith.mulf %get3A_192, %get3A_199 : vector<16xf32>
      %mul3A_201 = arith.constant 16 : i32
      %mul3A_202 = vector.broadcast %mul3A_201 : i32 to vector<16xi32>
      %mul3A_203 = arith.muli %iota3A, %mul3A_202 : vector<16xi32>
      %add3A_204 = arith.constant 2 : i32
      %add3A_205 = vector.broadcast %add3A_204 : i32 to vector<16xi32>
      %add3A_206 = arith.addi %mul3A_203, %add3A_205 : vector<16xi32>
      tpu.vector_store_idx %arg7[%add3A_206], %mul3A_200 : memref<256xf32, #tpu.memory_space<vmem>>[vector<16xi32>], vector<16xf32>,
      %mul3A_207 = arith.constant 16 : i32
      %mul3A_208 = arith.muli %scan3A_137, %mul3A_207 : i32
      %add3A_209 = arith.constant 3 : i32
      %add3A_210 = arith.addi %mul3A_208, %add3A_209 : i32
      %mul3A_211 = arith.constant 2 : i32
      %mul3A_212 = arith.muli %mul3A_211, %add3A_210 : i32
      %get3A_213 = arith.index_cast %mul3A_212 : i32 to index
      %get3A_214 = arith.constant 0 : index
      %get3A_215 = tpu.vector_load %arg6[%get3A_213, %get3A_214] {strides = array<i32>} : memref<1024x16xf32, #tpu.memory_space<vmem>>, vector<16xf32>,
      %mul3A_216 = arith.constant 2 : i32
      %mul3A_217 = arith.muli %mul3A_216, %add3A_210 : i32
      %add3A_218 = arith.constant 1 : i32
      %add3A_219 = arith.addi %mul3A_217, %add3A_218 : i32
      %get3A_220 = arith.index_cast %add3A_219 : i32 to index
      %get3A_221 = arith.constant 0 : index
      %get3A_222 = tpu.vector_load %arg6[%get3A_220, %get3A_221] {strides = array<i32>} : memref<1024x16xf32, #tpu.memory_space<vmem>>, vector<16xf32>,
      %mul3A_223 = arith.mulf %get3A_215, %get3A_222 : vector<16xf32>
      %mul3A_224 = arith.constant 16 : i32
      %mul3A_225 = vector.broadcast %mul3A_224 : i32 to vector<16xi32>
      %mul3A_226 = arith.muli %iota3A, %mul3A_225 : vector<16xi32>
      %add3A_227 = arith.constant 3 : i32
      %add3A_228 = vector.broadcast %add3A_227 : i32 to vector<16xi32>
      %add3A_229 = arith.addi %mul3A_226, %add3A_228 : vector<16xi32>
      tpu.vector_store_idx %arg7[%add3A_229], %mul3A_223 : memref<256xf32, #tpu.memory_space<vmem>>[vector<16xi32>], vector<16xf32>,
      %mul3A_230 = arith.constant 16 : i32
      %mul3A_231 = arith.muli %scan3A_137, %mul3A_230 : i32
      %add3A_232 = arith.constant 4 : i32
      %add3A_233 = arith.addi %mul3A_231, %add3A_232 : i32
      %mul3A_234 = arith.constant 2 : i32
      %mul3A_235 = arith.muli %mul3A_234, %add3A_233 : i32
      %get3A_236 = arith.index_cast %mul3A_235 : i32 to index
      %get3A_237 = arith.constant 0 : index
      %get3A_238 = tpu.vector_load %arg6[%get3A_236, %get3A_237] {strides = array<i32>} : memref<1024x16xf32, #tpu.memory_space<vmem>>, vector<16xf32>,
      %mul3A_239 = arith.constant 2 : i32
      %mul3A_240 = arith.muli %mul3A_239, %add3A_233 : i32
      %add3A_241 = arith.constant 1 : i32
      %add3A_242 = arith.addi %mul3A_240, %add3A_241 : i32
      %get3A_243 = arith.index_cast %add3A_242 : i32 to index
      %get3A_244 = arith.constant 0 : index
      %get3A_245 = tpu.vector_load %arg6[%get3A_243, %get3A_244] {strides = array<i32>} : memref<1024x16xf32, #tpu.memory_space<vmem>>, vector<16xf32>,
      %mul3A_246 = arith.mulf %get3A_238, %get3A_245 : vector<16xf32>
      %mul3A_247 = arith.constant 16 : i32
      %mul3A_248 = vector.broadcast %mul3A_247 : i32 to vector<16xi32>
      %mul3A_249 = arith.muli %iota3A, %mul3A_248 : vector<16xi32>
      %add3A_250 = arith.constant 4 : i32
      %add3A_251 = vector.broadcast %add3A_250 : i32 to vector<16xi32>
      %add3A_252 = arith.addi %mul3A_249, %add3A_251 : vector<16xi32>
      tpu.vector_store_idx %arg7[%add3A_252], %mul3A_246 : memref<256xf32, #tpu.memory_space<vmem>>[vector<16xi32>], vector<16xf32>,
      %mul3A_253 = arith.constant 16 : i32
      %mul3A_254 = arith.muli %scan3A_137, %mul3A_253 : i32
      %add3A_255 = arith.constant 5 : i32
      %add3A_256 = arith.addi %mul3A_254, %add3A_255 : i32
      %mul3A_257 = arith.constant 2 : i32
      %mul3A_258 = arith.muli %mul3A_257, %add3A_256 : i32
      %get3A_259 = arith.index_cast %mul3A_258 : i32 to index
      %get3A_260 = arith.constant 0 : index
      %get3A_261 = tpu.vector_load %arg6[%get3A_259, %get3A_260] {strides = array<i32>} : memref<1024x16xf32, #tpu.memory_space<vmem>>, vector<16xf32>,
      %mul3A_262 = arith.constant 2 : i32
      %mul3A_263 = arith.muli %mul3A_262, %add3A_256 : i32
      %add3A_264 = arith.constant 1 : i32
      %add3A_265 = arith.addi %mul3A_263, %add3A_264 : i32
      %get3A_266 = arith.index_cast %add3A_265 : i32 to index
      %get3A_267 = arith.constant 0 : index
      %get3A_268 = tpu.vector_load %arg6[%get3A_266, %get3A_267] {strides = array<i32>} : memref<1024x16xf32, #tpu.memory_space<vmem>>, vector<16xf32>,
      %mul3A_269 = arith.mulf %get3A_261, %get3A_268 : vector<16xf32>
      %mul3A_270 = arith.constant 16 : i32
      %mul3A_271 = vector.broadcast %mul3A_270 : i32 to vector<16xi32>
      %mul3A_272 = arith.muli %iota3A, %mul3A_271 : vector<16xi32>
      %add3A_273 = arith.constant 5 : i32
      %add3A_274 = vector.broadcast %add3A_273 : i32 to vector<16xi32>
      %add3A_275 = arith.addi %mul3A_272, %add3A_274 : vector<16xi32>
      tpu.vector_store_idx %arg7[%add3A_275], %mul3A_269 : memref<256xf32, #tpu.memory_space<vmem>>[vector<16xi32>], vector<16xf32>,
      %mul3A_276 = arith.constant 16 : i32
      %mul3A_277 = arith.muli %scan3A_137, %mul3A_276 : i32
      %add3A_278 = arith.constant 6 : i32
      %add3A_279 = arith.addi %mul3A_277, %add3A_278 : i32
      %mul3A_280 = arith.constant 2 : i32
      %mul3A_281 = arith.muli %mul3A_280, %add3A_279 : i32
      %get3A_282 = arith.index_cast %mul3A_281 : i32 to index
      %get3A_283 = arith.constant 0 : index
      %get3A_284 = tpu.vector_load %arg6[%get3A_282, %get3A_283] {strides = array<i32>} : memref<1024x16xf32, #tpu.memory_space<vmem>>, vector<16xf32>,
      %mul3A_285 = arith.constant 2 : i32
      %mul3A_286 = arith.muli %mul3A_285, %add3A_279 : i32
      %add3A_287 = arith.constant 1 : i32
      %add3A_288 = arith.addi %mul3A_286, %add3A_287 : i32
      %get3A_289 = arith.index_cast %add3A_288 : i32 to index
      %get3A_290 = arith.constant 0 : index
      %get3A_291 = tpu.vector_load %arg6[%get3A_289, %get3A_290] {strides = array<i32>} : memref<1024x16xf32, #tpu.memory_space<vmem>>, vector<16xf32>,
      %mul3A_292 = arith.mulf %get3A_284, %get3A_291 : vector<16xf32>
      %mul3A_293 = arith.constant 16 : i32
      %mul3A_294 = vector.broadcast %mul3A_293 : i32 to vector<16xi32>
      %mul3A_295 = arith.muli %iota3A, %mul3A_294 : vector<16xi32>
      %add3A_296 = arith.constant 6 : i32
      %add3A_297 = vector.broadcast %add3A_296 : i32 to vector<16xi32>
      %add3A_298 = arith.addi %mul3A_295, %add3A_297 : vector<16xi32>
      tpu.vector_store_idx %arg7[%add3A_298], %mul3A_292 : memref<256xf32, #tpu.memory_space<vmem>>[vector<16xi32>], vector<16xf32>,
      %mul3A_299 = arith.constant 16 : i32
      %mul3A_300 = arith.muli %scan3A_137, %mul3A_299 : i32
      %add3A_301 = arith.constant 7 : i32
      %add3A_302 = arith.addi %mul3A_300, %add3A_301 : i32
      %mul3A_303 = arith.constant 2 : i32
      %mul3A_304 = arith.muli %mul3A_303, %add3A_302 : i32
      %get3A_305 = arith.index_cast %mul3A_304 : i32 to index
      %get3A_306 = arith.constant 0 : index
      %get3A_307 = tpu.vector_load %arg6[%get3A_305, %get3A_306] {strides = array<i32>} : memref<1024x16xf32, #tpu.memory_space<vmem>>, vector<16xf32>,
      %mul3A_308 = arith.constant 2 : i32
      %mul3A_309 = arith.muli %mul3A_308, %add3A_302 : i32
      %add3A_310 = arith.constant 1 : i32
      %add3A_311 = arith.addi %mul3A_309, %add3A_310 : i32
      %get3A_312 = arith.index_cast %add3A_311 : i32 to index
      %get3A_313 = arith.constant 0 : index
      %get3A_314 = tpu.vector_load %arg6[%get3A_312, %get3A_313] {strides = array<i32>} : memref<1024x16xf32, #tpu.memory_space<vmem>>, vector<16xf32>,
      %mul3A_315 = arith.mulf %get3A_307, %get3A_314 : vector<16xf32>
      %mul3A_316 = arith.constant 16 : i32
      %mul3A_317 = vector.broadcast %mul3A_316 : i32 to vector<16xi32>
      %mul3A_318 = arith.muli %iota3A, %mul3A_317 : vector<16xi32>
      %add3A_319 = arith.constant 7 : i32
      %add3A_320 = vector.broadcast %add3A_319 : i32 to vector<16xi32>
      %add3A_321 = arith.addi %mul3A_318, %add3A_320 : vector<16xi32>
      tpu.vector_store_idx %arg7[%add3A_321], %mul3A_315 : memref<256xf32, #tpu.memory_space<vmem>>[vector<16xi32>], vector<16xf32>,
      %mul3A_322 = arith.constant 16 : i32
      %mul3A_323 = arith.muli %scan3A_137, %mul3A_322 : i32
      %add3A_324 = arith.constant 8 : i32
      %add3A_325 = arith.addi %mul3A_323, %add3A_324 : i32
      %mul3A_326 = arith.constant 2 : i32
      %mul3A_327 = arith.muli %mul3A_326, %add3A_325 : i32
      %get3A_328 = arith.index_cast %mul3A_327 : i32 to index
      %get3A_329 = arith.constant 0 : index
      %get3A_330 = tpu.vector_load %arg6[%get3A_328, %get3A_329] {strides = array<i32>} : memref<1024x16xf32, #tpu.memory_space<vmem>>, vector<16xf32>,
      %mul3A_331 = arith.constant 2 : i32
      %mul3A_332 = arith.muli %mul3A_331, %add3A_325 : i32
      %add3A_333 = arith.constant 1 : i32
      %add3A_334 = arith.addi %mul3A_332, %add3A_333 : i32
      %get3A_335 = arith.index_cast %add3A_334 : i32 to index
      %get3A_336 = arith.constant 0 : index
      %get3A_337 = tpu.vector_load %arg6[%get3A_335, %get3A_336] {strides = array<i32>} : memref<1024x16xf32, #tpu.memory_space<vmem>>, vector<16xf32>,
      %mul3A_338 = arith.mulf %get3A_330, %get3A_337 : vector<16xf32>
      %mul3A_339 = arith.constant 16 : i32
      %mul3A_340 = vector.broadcast %mul3A_339 : i32 to vector<16xi32>
      %mul3A_341 = arith.muli %iota3A, %mul3A_340 : vector<16xi32>
      %add3A_342 = arith.constant 8 : i32
      %add3A_343 = vector.broadcast %add3A_342 : i32 to vector<16xi32>
      %add3A_344 = arith.addi %mul3A_341, %add3A_343 : vector<16xi32>
      tpu.vector_store_idx %arg7[%add3A_344], %mul3A_338 : memref<256xf32, #tpu.memory_space<vmem>>[vector<16xi32>], vector<16xf32>,
      %mul3A_345 = arith.constant 16 : i32
      %mul3A_346 = arith.muli %scan3A_137, %mul3A_345 : i32
      %add3A_347 = arith.constant 9 : i32
      %add3A_348 = arith.addi %mul3A_346, %add3A_347 : i32
      %mul3A_349 = arith.constant 2 : i32
      %mul3A_350 = arith.muli %mul3A_349, %add3A_348 : i32
      %get3A_351 = arith.index_cast %mul3A_350 : i32 to index
      %get3A_352 = arith.constant 0 : index
      %get3A_353 = tpu.vector_load %arg6[%get3A_351, %get3A_352] {strides = array<i32>} : memref<1024x16xf32, #tpu.memory_space<vmem>>, vector<16xf32>,
      %mul3A_354 = arith.constant 2 : i32
      %mul3A_355 = arith.muli %mul3A_354, %add3A_348 : i32
      %add3A_356 = arith.constant 1 : i32
      %add3A_357 = arith.addi %mul3A_355, %add3A_356 : i32
      %get3A_358 = arith.index_cast %add3A_357 : i32 to index
      %get3A_359 = arith.constant 0 : index
      %get3A_360 = tpu.vector_load %arg6[%get3A_358, %get3A_359] {strides = array<i32>} : memref<1024x16xf32, #tpu.memory_space<vmem>>, vector<16xf32>,
      %mul3A_361 = arith.mulf %get3A_353, %get3A_360 : vector<16xf32>
      %mul3A_362 = arith.constant 16 : i32
      %mul3A_363 = vector.broadcast %mul3A_362 : i32 to vector<16xi32>
      %mul3A_364 = arith.muli %iota3A, %mul3A_363 : vector<16xi32>
      %add3A_365 = arith.constant 9 : i32
      %add3A_366 = vector.broadcast %add3A_365 : i32 to vector<16xi32>
      %add3A_367 = arith.addi %mul3A_364, %add3A_366 : vector<16xi32>
      tpu.vector_store_idx %arg7[%add3A_367], %mul3A_361 : memref<256xf32, #tpu.memory_space<vmem>>[vector<16xi32>], vector<16xf32>,
      %mul3A_368 = arith.constant 16 : i32
      %mul3A_369 = arith.muli %scan3A_137, %mul3A_368 : i32
      %add3A_370 = arith.constant 10 : i32
      %add3A_371 = arith.addi %mul3A_369, %add3A_370 : i32
      %mul3A_372 = arith.constant 2 : i32
      %mul3A_373 = arith.muli %mul3A_372, %add3A_371 : i32
      %get3A_374 = arith.index_cast %mul3A_373 : i32 to index
      %get3A_375 = arith.constant 0 : index
      %get3A_376 = tpu.vector_load %arg6[%get3A_374, %get3A_375] {strides = array<i32>} : memref<1024x16xf32, #tpu.memory_space<vmem>>, vector<16xf32>,
      %mul3A_377 = arith.constant 2 : i32
      %mul3A_378 = arith.muli %mul3A_377, %add3A_371 : i32
      %add3A_379 = arith.constant 1 : i32
      %add3A_380 = arith.addi %mul3A_378, %add3A_379 : i32
      %get3A_381 = arith.index_cast %add3A_380 : i32 to index
      %get3A_382 = arith.constant 0 : index
      %get3A_383 = tpu.vector_load %arg6[%get3A_381, %get3A_382] {strides = array<i32>} : memref<1024x16xf32, #tpu.memory_space<vmem>>, vector<16xf32>,
      %mul3A_384 = arith.mulf %get3A_376, %get3A_383 : vector<16xf32>
      %mul3A_385 = arith.constant 16 : i32
      %mul3A_386 = vector.broadcast %mul3A_385 : i32 to vector<16xi32>
      %mul3A_387 = arith.muli %iota3A, %mul3A_386 : vector<16xi32>
      %add3A_388 = arith.constant 10 : i32
      %add3A_389 = vector.broadcast %add3A_388 : i32 to vector<16xi32>
      %add3A_390 = arith.addi %mul3A_387, %add3A_389 : vector<16xi32>
      tpu.vector_store_idx %arg7[%add3A_390], %mul3A_384 : memref<256xf32, #tpu.memory_space<vmem>>[vector<16xi32>], vector<16xf32>,
      %mul3A_391 = arith.constant 16 : i32
      %mul3A_392 = arith.muli %scan3A_137, %mul3A_391 : i32
      %add3A_393 = arith.constant 11 : i32
      %add3A_394 = arith.addi %mul3A_392, %add3A_393 : i32
      %mul3A_395 = arith.constant 2 : i32
      %mul3A_396 = arith.muli %mul3A_395, %add3A_394 : i32
      %get3A_397 = arith.index_cast %mul3A_396 : i32 to index
      %get3A_398 = arith.constant 0 : index
      %get3A_399 = tpu.vector_load %arg6[%get3A_397, %get3A_398] {strides = array<i32>} : memref<1024x16xf32, #tpu.memory_space<vmem>>, vector<16xf32>,
      %mul3A_400 = arith.constant 2 : i32
      %mul3A_401 = arith.muli %mul3A_400, %add3A_394 : i32
      %add3A_402 = arith.constant 1 : i32
      %add3A_403 = arith.addi %mul3A_401, %add3A_402 : i32
      %get3A_404 = arith.index_cast %add3A_403 : i32 to index
      %get3A_405 = arith.constant 0 : index
      %get3A_406 = tpu.vector_load %arg6[%get3A_404, %get3A_405] {strides = array<i32>} : memref<1024x16xf32, #tpu.memory_space<vmem>>, vector<16xf32>,
      %mul3A_407 = arith.mulf %get3A_399, %get3A_406 : vector<16xf32>
      %mul3A_408 = arith.constant 16 : i32
      %mul3A_409 = vector.broadcast %mul3A_408 : i32 to vector<16xi32>
      %mul3A_410 = arith.muli %iota3A, %mul3A_409 : vector<16xi32>
      %add3A_411 = arith.constant 11 : i32
      %add3A_412 = vector.broadcast %add3A_411 : i32 to vector<16xi32>
      %add3A_413 = arith.addi %mul3A_410, %add3A_412 : vector<16xi32>
      tpu.vector_store_idx %arg7[%add3A_413], %mul3A_407 : memref<256xf32, #tpu.memory_space<vmem>>[vector<16xi32>], vector<16xf32>,
      %mul3A_414 = arith.constant 16 : i32
      %mul3A_415 = arith.muli %scan3A_137, %mul3A_414 : i32
      %add3A_416 = arith.constant 12 : i32
      %add3A_417 = arith.addi %mul3A_415, %add3A_416 : i32
      %mul3A_418 = arith.constant 2 : i32
      %mul3A_419 = arith.muli %mul3A_418, %add3A_417 : i32
      %get3A_420 = arith.index_cast %mul3A_419 : i32 to index
      %get3A_421 = arith.constant 0 : index
      %get3A_422 = tpu.vector_load %arg6[%get3A_420, %get3A_421] {strides = array<i32>} : memref<1024x16xf32, #tpu.memory_space<vmem>>, vector<16xf32>,
      %mul3A_423 = arith.constant 2 : i32
      %mul3A_424 = arith.muli %mul3A_423, %add3A_417 : i32
      %add3A_425 = arith.constant 1 : i32
      %add3A_426 = arith.addi %mul3A_424, %add3A_425 : i32
      %get3A_427 = arith.index_cast %add3A_426 : i32 to index
      %get3A_428 = arith.constant 0 : index
      %get3A_429 = tpu.vector_load %arg6[%get3A_427, %get3A_428] {strides = array<i32>} : memref<1024x16xf32, #tpu.memory_space<vmem>>, vector<16xf32>,
      %mul3A_430 = arith.mulf %get3A_422, %get3A_429 : vector<16xf32>
      %mul3A_431 = arith.constant 16 : i32
      %mul3A_432 = vector.broadcast %mul3A_431 : i32 to vector<16xi32>
      %mul3A_433 = arith.muli %iota3A, %mul3A_432 : vector<16xi32>
      %add3A_434 = arith.constant 12 : i32
      %add3A_435 = vector.broadcast %add3A_434 : i32 to vector<16xi32>
      %add3A_436 = arith.addi %mul3A_433, %add3A_435 : vector<16xi32>
      tpu.vector_store_idx %arg7[%add3A_436], %mul3A_430 : memref<256xf32, #tpu.memory_space<vmem>>[vector<16xi32>], vector<16xf32>,
      %mul3A_437 = arith.constant 16 : i32
      %mul3A_438 = arith.muli %scan3A_137, %mul3A_437 : i32
      %add3A_439 = arith.constant 13 : i32
      %add3A_440 = arith.addi %mul3A_438, %add3A_439 : i32
      %mul3A_441 = arith.constant 2 : i32
      %mul3A_442 = arith.muli %mul3A_441, %add3A_440 : i32
      %get3A_443 = arith.index_cast %mul3A_442 : i32 to index
      %get3A_444 = arith.constant 0 : index
      %get3A_445 = tpu.vector_load %arg6[%get3A_443, %get3A_444] {strides = array<i32>} : memref<1024x16xf32, #tpu.memory_space<vmem>>, vector<16xf32>,
      %mul3A_446 = arith.constant 2 : i32
      %mul3A_447 = arith.muli %mul3A_446, %add3A_440 : i32
      %add3A_448 = arith.constant 1 : i32
      %add3A_449 = arith.addi %mul3A_447, %add3A_448 : i32
      %get3A_450 = arith.index_cast %add3A_449 : i32 to index
      %get3A_451 = arith.constant 0 : index
      %get3A_452 = tpu.vector_load %arg6[%get3A_450, %get3A_451] {strides = array<i32>} : memref<1024x16xf32, #tpu.memory_space<vmem>>, vector<16xf32>,
      %mul3A_453 = arith.mulf %get3A_445, %get3A_452 : vector<16xf32>
      %mul3A_454 = arith.constant 16 : i32
      %mul3A_455 = vector.broadcast %mul3A_454 : i32 to vector<16xi32>
      %mul3A_456 = arith.muli %iota3A, %mul3A_455 : vector<16xi32>
      %add3A_457 = arith.constant 13 : i32
      %add3A_458 = vector.broadcast %add3A_457 : i32 to vector<16xi32>
      %add3A_459 = arith.addi %mul3A_456, %add3A_458 : vector<16xi32>
      tpu.vector_store_idx %arg7[%add3A_459], %mul3A_453 : memref<256xf32, #tpu.memory_space<vmem>>[vector<16xi32>], vector<16xf32>,
      %mul3A_460 = arith.constant 16 : i32
      %mul3A_461 = arith.muli %scan3A_137, %mul3A_460 : i32
      %add3A_462 = arith.constant 14 : i32
      %add3A_463 = arith.addi %mul3A_461, %add3A_462 : i32
      %mul3A_464 = arith.constant 2 : i32
      %mul3A_465 = arith.muli %mul3A_464, %add3A_463 : i32
      %get3A_466 = arith.index_cast %mul3A_465 : i32 to index
      %get3A_467 = arith.constant 0 : index
      %get3A_468 = tpu.vector_load %arg6[%get3A_466, %get3A_467] {strides = array<i32>} : memref<1024x16xf32, #tpu.memory_space<vmem>>, vector<16xf32>,
      %mul3A_469 = arith.constant 2 : i32
      %mul3A_470 = arith.muli %mul3A_469, %add3A_463 : i32
      %add3A_471 = arith.constant 1 : i32
      %add3A_472 = arith.addi %mul3A_470, %add3A_471 : i32
      %get3A_473 = arith.index_cast %add3A_472 : i32 to index
      %get3A_474 = arith.constant 0 : index
      %get3A_475 = tpu.vector_load %arg6[%get3A_473, %get3A_474] {strides = array<i32>} : memref<1024x16xf32, #tpu.memory_space<vmem>>, vector<16xf32>,
      %mul3A_476 = arith.mulf %get3A_468, %get3A_475 : vector<16xf32>
      %mul3A_477 = arith.constant 16 : i32
      %mul3A_478 = vector.broadcast %mul3A_477 : i32 to vector<16xi32>
      %mul3A_479 = arith.muli %iota3A, %mul3A_478 : vector<16xi32>
      %add3A_480 = arith.constant 14 : i32
      %add3A_481 = vector.broadcast %add3A_480 : i32 to vector<16xi32>
      %add3A_482 = arith.addi %mul3A_479, %add3A_481 : vector<16xi32>
      tpu.vector_store_idx %arg7[%add3A_482], %mul3A_476 : memref<256xf32, #tpu.memory_space<vmem>>[vector<16xi32>], vector<16xf32>,
      %mul3A_483 = arith.constant 16 : i32
      %mul3A_484 = arith.muli %scan3A_137, %mul3A_483 : i32
      %add3A_485 = arith.constant 15 : i32
      %add3A_486 = arith.addi %mul3A_484, %add3A_485 : i32
      %mul3A_487 = arith.constant 2 : i32
      %mul3A_488 = arith.muli %mul3A_487, %add3A_486 : i32
      %get3A_489 = arith.index_cast %mul3A_488 : i32 to index
      %get3A_490 = arith.constant 0 : index
      %get3A_491 = tpu.vector_load %arg6[%get3A_489, %get3A_490] {strides = array<i32>} : memref<1024x16xf32, #tpu.memory_space<vmem>>, vector<16xf32>,
      %mul3A_492 = arith.constant 2 : i32
      %mul3A_493 = arith.muli %mul3A_492, %add3A_486 : i32
      %add3A_494 = arith.constant 1 : i32
      %add3A_495 = arith.addi %mul3A_493, %add3A_494 : i32
      %get3A_496 = arith.index_cast %add3A_495 : i32 to index
      %get3A_497 = arith.constant 0 : index
      %get3A_498 = tpu.vector_load %arg6[%get3A_496, %get3A_497] {strides = array<i32>} : memref<1024x16xf32, #tpu.memory_space<vmem>>, vector<16xf32>,
      %mul3A_499 = arith.mulf %get3A_491, %get3A_498 : vector<16xf32>
      %mul3A_500 = arith.constant 16 : i32
      %mul3A_501 = vector.broadcast %mul3A_500 : i32 to vector<16xi32>
      %mul3A_502 = arith.muli %iota3A, %mul3A_501 : vector<16xi32>
      %add3A_503 = arith.constant 15 : i32
      %add3A_504 = vector.broadcast %add3A_503 : i32 to vector<16xi32>
      %add3A_505 = arith.addi %mul3A_502, %add3A_504 : vector<16xi32>
      tpu.vector_store_idx %arg7[%add3A_505], %mul3A_499 : memref<256xf32, #tpu.memory_space<vmem>>[vector<16xi32>], vector<16xf32>,
      %get3A_506 = arith.constant 0 : index
      %get3A_507 = tpu.vector_load %arg7[%get3A_506] {strides = array<i32>} : memref<256xf32, #tpu.memory_space<vmem>>, vector<16xf32>,
      %neg3A = arith.constant 0.000000e+00 : f32
      %neg3A_508 = vector.broadcast %neg3A : f32 to vector<16xf32>
      %neg3A_509 = arith.subf %neg3A_508, %get3A_507 : vector<16xf32>
      %get3A_510 = arith.constant 16 : index
      %get3A_511 = tpu.vector_load %arg7[%get3A_510] {strides = array<i32>} : memref<256xf32, #tpu.memory_space<vmem>>, vector<16xf32>,
      %add3A_512 = arith.addf %neg3A_509, %get3A_511 : vector<16xf32>
      %get3A_513 = arith.constant 32 : index
      %get3A_514 = tpu.vector_load %arg7[%get3A_513] {strides = array<i32>} : memref<256xf32, #tpu.memory_space<vmem>>, vector<16xf32>,
      %add3A_515 = arith.addf %add3A_512, %get3A_514 : vector<16xf32>
      %get3A_516 = arith.constant 48 : index
      %get3A_517 = tpu.vector_load %arg7[%get3A_516] {strides = array<i32>} : memref<256xf32, #tpu.memory_space<vmem>>, vector<16xf32>,
      %add3A_518 = arith.addf %add3A_515, %get3A_517 : vector<16xf32>
      %get3A_519 = arith.constant 64 : index
      %get3A_520 = tpu.vector_load %arg7[%get3A_519] {strides = array<i32>} : memref<256xf32, #tpu.memory_space<vmem>>, vector<16xf32>,
      %add3A_521 = arith.addf %add3A_518, %get3A_520 : vector<16xf32>
      %get3A_522 = arith.constant 80 : index
      %get3A_523 = tpu.vector_load %arg7[%get3A_522] {strides = array<i32>} : memref<256xf32, #tpu.memory_space<vmem>>, vector<16xf32>,
      %add3A_524 = arith.addf %add3A_521, %get3A_523 : vector<16xf32>
      %get3A_525 = arith.constant 96 : index
      %get3A_526 = tpu.vector_load %arg7[%get3A_525] {strides = array<i32>} : memref<256xf32, #tpu.memory_space<vmem>>, vector<16xf32>,
      %add3A_527 = arith.addf %add3A_524, %get3A_526 : vector<16xf32>
      %get3A_528 = arith.constant 112 : index
      %get3A_529 = tpu.vector_load %arg7[%get3A_528] {strides = array<i32>} : memref<256xf32, #tpu.memory_space<vmem>>, vector<16xf32>,
      %add3A_530 = arith.addf %add3A_527, %get3A_529 : vector<16xf32>
      %get3A_531 = arith.constant 128 : index
      %get3A_532 = tpu.vector_load %arg7[%get3A_531] {strides = array<i32>} : memref<256xf32, #tpu.memory_space<vmem>>, vector<16xf32>,
      %add3A_533 = arith.addf %add3A_530, %get3A_532 : vector<16xf32>
      %get3A_534 = arith.constant 144 : index
      %get3A_535 = tpu.vector_load %arg7[%get3A_534] {strides = array<i32>} : memref<256xf32, #tpu.memory_space<vmem>>, vector<16xf32>,
      %add3A_536 = arith.addf %add3A_533, %get3A_535 : vector<16xf32>
      %get3A_537 = arith.constant 160 : index
      %get3A_538 = tpu.vector_load %arg7[%get3A_537] {strides = array<i32>} : memref<256xf32, #tpu.memory_space<vmem>>, vector<16xf32>,
      %add3A_539 = arith.addf %add3A_536, %get3A_538 : vector<16xf32>
      %get3A_540 = arith.constant 176 : index
      %get3A_541 = tpu.vector_load %arg7[%get3A_540] {strides = array<i32>} : memref<256xf32, #tpu.memory_space<vmem>>, vector<16xf32>,
      %add3A_542 = arith.addf %add3A_539, %get3A_541 : vector<16xf32>
      %get3A_543 = arith.constant 192 : index
      %get3A_544 = tpu.vector_load %arg7[%get3A_543] {strides = array<i32>} : memref<256xf32, #tpu.memory_space<vmem>>, vector<16xf32>,
      %add3A_545 = arith.addf %add3A_542, %get3A_544 : vector<16xf32>
      %get3A_546 = arith.constant 208 : index
      %get3A_547 = tpu.vector_load %arg7[%get3A_546] {strides = array<i32>} : memref<256xf32, #tpu.memory_space<vmem>>, vector<16xf32>,
      %add3A_548 = arith.addf %add3A_545, %get3A_547 : vector<16xf32>
      %get3A_549 = arith.constant 224 : index
      %get3A_550 = tpu.vector_load %arg7[%get3A_549] {strides = array<i32>} : memref<256xf32, #tpu.memory_space<vmem>>, vector<16xf32>,
      %add3A_551 = arith.addf %add3A_548, %get3A_550 : vector<16xf32>
      %get3A_552 = arith.constant 240 : index
      %get3A_553 = tpu.vector_load %arg7[%get3A_552] {strides = array<i32>} : memref<256xf32, #tpu.memory_space<vmem>>, vector<16xf32>,
      %add3A_554 = arith.addf %add3A_551, %get3A_553 : vector<16xf32>
      %mul3A_555 = arith.constant 16 : i32
      %mul3A_556 = arith.muli %scan3A_137, %mul3A_555 : i32
      %swap3A = arith.index_cast %mul3A_556 : i32 to index
      %swap3A_557 = tpu.vector_load %arg8[%swap3A] {strides = array<i32>} : memref<512xf32, #tpu.memory_space<vmem>>, vector<16xf32>,
      tpu.vector_store %arg8[%swap3A], %add3A_554 {strides = array<i32>} : memref<512xf32, #tpu.memory_space<vmem>>, vector<16xf32>,
      %scan3A_558 = arith.constant 0 : i32
      scf.yield %scan3A_558 : i32
    }
    %scan3A_134 = arith.constant 32 : i32
    %mul3A_135 = arith.constant 512 : i32
    %mul3A_136 = arith.muli %add3A, %mul3A_135 : i32
    "tpu.region"() ({
      %run_scoped3A = tpu.sem_alloc : memref<!tpu.dma_semaphore, #tpu.memory_space<semaphore_mem>>
      %dma_start3A_137 = tpu.memref_slice %arg4[%mul3A_136] : memref<16384xf32, #tpu.memory_space<hbm>> -> memref<512xf32, #tpu.memory_space<hbm>>
      %dma_start3A_138 = tpu.memref_slice %arg4[%mul3A_136] : memref<16384xf32, #tpu.memory_space<hbm>> -> memref<512xf32, #tpu.memory_space<hbm>>
      tpu.enqueue_dma source(%arg8 : memref<512xf32, #tpu.memory_space<vmem>>) target(%dma_start3A_138 : memref<512xf32, #tpu.memory_space<hbm>>) target_semaphore(%run_scoped3A : memref<!tpu.dma_semaphore, #tpu.memory_space<semaphore_mem>>)
      %dma_wait3A_139 = tpu.memref_slice %arg4[%mul3A_136] : memref<16384xf32, #tpu.memory_space<hbm>> -> memref<512xf32, #tpu.memory_space<hbm>>
      %dma_wait3A_140 = tpu.memref_slice %arg4[%mul3A_136] : memref<16384xf32, #tpu.memory_space<hbm>> -> memref<512xf32, #tpu.memory_space<hbm>>
      tpu.wait_dma2 semaphore(%run_scoped3A : memref<!tpu.dma_semaphore, #tpu.memory_space<semaphore_mem>>) src(%arg8 : memref<512xf32, #tpu.memory_space<vmem>>) dst(%dma_wait3A_140 : memref<512xf32, #tpu.memory_space<hbm>>)
      tpu.yield
    }) : () -> ()
    return
  }
}

module attributes {stable_mosaic.version = 14 : i64} {
  func.func @_loss_body(%arg0: memref<2xf32, #tpu.memory_space<smem>>, %arg1: memref<128x128xf32, #tpu.memory_space<vmem>>, %arg2: memref<128x128xi32, #tpu.memory_space<vmem>>, %arg3: memref<128x128xf32, #tpu.memory_space<vmem>>) attributes {dimension_semantics = [], scalar_prefetch = 0 : i64, scratch_operands = 0 : i64, tpu.core_type = #tpu.core_type<tc>} {
    %get3A = arith.constant 0 : index
    %get3A_0 = arith.constant 0 : index
    %get3A_1 = vector.load %arg1[%get3A, %get3A_0] : memref<128x128xf32, #tpu.memory_space<vmem>>, vector<128x128xf32>
    %neg3A = arith.constant 0.000000e+00 : f32
    %neg3A_2 = vector.broadcast %neg3A : f32 to vector<128x128xf32>
    %neg3A_3 = arith.subf %neg3A_2, %get3A_1 : vector<128x128xf32>
    %max3A = arith.constant 1.00000012 : f32
    %max3A_4 = vector.broadcast %max3A : f32 to vector<128x128xf32>
    %max3A_5 = arith.maximumf %neg3A_3, %max3A_4 : vector<128x128xf32>
    %sub3A = arith.constant 1.000000e+00 : f32
    %sub3A_6 = vector.broadcast %sub3A : f32 to vector<128x128xf32>
    %sub3A_7 = arith.subf %max3A_5, %sub3A_6 : vector<128x128xf32>
    %add3A = arith.constant 1.000000e+00 : f32
    %add3A_8 = vector.broadcast %add3A : f32 to vector<128x128xf32>
    %add3A_9 = arith.addf %max3A_5, %add3A_8 : vector<128x128xf32>
    %mul3A = arith.mulf %sub3A_7, %add3A_9 : vector<128x128xf32>
    %sqrt3A = math.sqrt %mul3A : vector<128x128xf32>
    %add3A_10 = arith.addf %max3A_5, %sqrt3A : vector<128x128xf32>
    %log3A = math.log %add3A_10 : vector<128x128xf32>
    %get3A_11 = arith.constant 0 : index
    %get3A_12 = memref.load %arg0[%get3A_11] : memref<2xf32, #tpu.memory_space<smem>>
    %mul3A_13 = vector.broadcast %get3A_12 : f32 to vector<128x128xf32>
    %mul3A_14 = arith.mulf %mul3A_13, %log3A : vector<128x128xf32>
    %get3A_15 = arith.constant 1 : index
    %get3A_16 = memref.load %arg0[%get3A_15] : memref<2xf32, #tpu.memory_space<smem>>
    %sub3A_17 = vector.broadcast %get3A_16 : f32 to vector<128x128xf32>
    %sub3A_18 = arith.subf %mul3A_14, %sub3A_17 : vector<128x128xf32>
    %abs3A = math.absf %sub3A_18 : vector<128x128xf32>
    %neg3A_19 = arith.constant 0.000000e+00 : f32
    %neg3A_20 = vector.broadcast %neg3A_19 : f32 to vector<128x128xf32>
    %neg3A_21 = arith.subf %neg3A_20, %abs3A : vector<128x128xf32>
    %exp3A = math.exp %neg3A_21 : vector<128x128xf32>
    %log1p3A = math.log1p %exp3A : vector<128x128xf32>
    %get3A_22 = arith.constant 0 : index
    %get3A_23 = arith.constant 0 : index
    %get3A_24 = vector.load %arg2[%get3A_22, %get3A_23] : memref<128x128xi32, #tpu.memory_space<vmem>>, vector<128x128xi32>
    %eq3A = arith.constant 1 : i32
    %eq3A_25 = vector.broadcast %eq3A : i32 to vector<128x128xi32>
    %eq3A_26 = arith.cmpi eq, %get3A_24, %eq3A_25 : vector<128x128xi32>
    %max3A_27 = arith.constant 0.000000e+00 : f32
    %max3A_28 = vector.broadcast %max3A_27 : f32 to vector<128x128xf32>
    %max3A_29 = arith.maximumf %sub3A_18, %max3A_28 : vector<128x128xf32>
    %neg3A_30 = arith.constant 0.000000e+00 : f32
    %neg3A_31 = vector.broadcast %neg3A_30 : f32 to vector<128x128xf32>
    %neg3A_32 = arith.subf %neg3A_31, %sub3A_18 : vector<128x128xf32>
    %max3A_33 = arith.constant 0.000000e+00 : f32
    %max3A_34 = vector.broadcast %max3A_33 : f32 to vector<128x128xf32>
    %max3A_35 = arith.maximumf %neg3A_32, %max3A_34 : vector<128x128xf32>
    %select_n3A = arith.select %eq3A_26, %max3A_29, %max3A_35 : vector<128x128xi1>, vector<128x128xf32>
    %add3A_36 = arith.addf %log1p3A, %select_n3A : vector<128x128xf32>
    %swap3A = arith.constant 0 : index
    %swap3A_37 = arith.constant 0 : index
    %swap3A_38 = vector.load %arg3[%swap3A, %swap3A_37] : memref<128x128xf32, #tpu.memory_space<vmem>>, vector<128x128xf32>
    tpu.vector_store %arg3[%swap3A, %swap3A_37], %add3A_36 {strides = array<i32>} : memref<128x128xf32, #tpu.memory_space<vmem>>, vector<128x128xf32>,
    return
  }
}

</mosaic_0001>

<sc_bundles>
// kernel: kernel.4.cloned.1.call-start
scs
__scs_entry_jumppad:
0x0: {  	(pc) =	sbr.rel $0x88, $3  }
0x1: {  	(tag) =	ssettag $0x0;
	lr =	simm.s32 $0x1  }
0x2: {  	[smem:$0x3F9C] =	sst lr;
	_ =	strace $0xD0000000  }
0x3: {  	_ = 	snop  }
0x4: {  	_ = 	snop  }
0x5: {  	_ = 	snop  }
0x6: {  	_ = 	snop  }
0x7: {  	_ = 	snop  }
__scs_overlays_trampoline_lowered:
0x8: {  	[smem:$0x3FAB] =	sst s0  }
0x9: {  	[smem:$0x3FAC] =	sst s1  }
0xa: {  	[smem:$0x3FAD] =	sst s2  }
0xb: {  	[smem:$0x3FAE] =	sst s3  }
0xc: {  	[smem:$0x3FAF] =	sst s4  }
0xd: {  	[smem:$0x3FB0] =	sst s5  }
0xe: {  	[smem:$0x3FB1] =	sst s6  }
0xf: {  	[smem:$0x3FB2] =	sst s7  }
0x10: {  	[smem:$0x3FB3] =	sst s8  }
0x11: {  	[smem:$0x3FB4] =	sst s9;
	s0 =	simm.s32 @!p0 $0x0  }
0x12: {  	s1 =	sld [smem:$0x3F9A];
	s0 =	simm.s32 @p0 $0x1  }
0x13: {  	[smem:$0x3FB5] =	sst s0;
	s0 =	simm.s32 @!p1 $0x0  }
0x14: {  	s2 =	sld [smem:$0x3F99];
	s0 =	simm.s32 @p1 $0x1  }
0x15: {  	[smem:$0x3FB6] =	sst s0;
	s0 =	simm.s32 @!p2 $0x0  }
0x16: {  	s3 =	sld [smem:$0x3FDB];
	s0 =	simm.s32 @p2 $0x1  }
0x17: {  	s4 =	simm.s32 $0x1BF5;
	[smem:$0x3FB8] =	sst s0  }
0x18: {  	s0 =	sld [smem:$0x3F9B];
	_ =	swait.ge [sflag:s4], $0x0  }
0x19: {  	s7 =	sld [smem:$0x3F9C]  }
0x1a: {  	s8 =	sadd.s32 $0xFFFFE003, lr  }
0x1b: {  	s9 =	sadd.s32 $0xFFFFFEF7, lr;
	s5 =	simm.s32 $0xFFFFFFFF;
	p2 =	slt.u32 s8, $0xFFFFF086  }
0x1c: {  	p1 =	slt.u32 s9, $0xF7A;
	s5 =	simm.s32 @!p2 $0x0  }
0x1d: {  	s5 =	simm.s32 @p1 $0x1;
	p0 =	seq.s32 s7, s2  }
0x1e: {  	s7 =	smul.u32 @!p0 $0xF7A, s2;
	p2 =	seq.s32 @!p0 s5, $0x0  }
0x1f: {  	s9 =	smul.u32 $0xF7A, s1;
	s8 =	simm.s32 @!p0 $0x1BF5;
	p2 =	por !p2, p0  }
0x20: {  	[sflag:s8] =	ssyncset.s32 @!p0 $0xFFFFF086;
	s6 =	sadd.s32 @!p0 s3, s7;
	s7 =	simm.s32 @!p0 $0x108  }
0x21: {  	s3 =	sadd.s32 s3, s9;
	s6 =	sadd.s32 @!p0 $0x88, s6;
	s7 =	simm.s32 @p2 $0x1082  }
0x22: {  	[simem:s7], [sflag:s8] =	dma.local @!p0 [hbm:s6], $0xF7A  }
0x23: {  	s9 =	sor.u32 $0xD0000000, s2;
	s6 =	simm.s32 $0x108;
	_ =	swait.ge @!p0 [sflag:s8], $0x0  }
0x24: {  	s3 =	sadd.s32 $0x88, s3;
	s6 =	simm.s32 @!p1 $0x1082;
	[sflag:s4] =	ssyncset.s32 $0xFFFFF086  }
0x25: {  	[simem:s6], [sflag:s4] =	dma.local [hbm:s3], $0xF7A  }
0x26: {  	[smem:$0x3F9C] =	sst s1;
	(tag) =	ssettag s2;
	_ =	strace s9  }
0x27: {  	s1 =	sld [smem:$0x3FAC]  }
0x28: {  	s2 =	sld [smem:$0x3FAD]  }
0x29: {  	s4 =	sld [smem:$0x3FAF]  }
0x2a: {  	p0 =	seq.s32 s5, $0x0;
	s5 =	sld [smem:$0x3FB0]  }
0x2b: {  	s6 =	sld [smem:$0x3FB1]  }
0x2c: {  	s7 =	sld [smem:$0x3FB2]  }
0x2d: {  	s3 =	simm.s32 $0x108;
	s8 =	sld [smem:$0x3FB3]  }
0x2e: {  	s3 =	simm.s32 @!p0 $0x1082;
	s9 =	sld [smem:$0x3FB4]  }
0x2f: {  	lr =	sadd.s32 s0, s3;
	s0 =	sld [smem:$0x3FAB]  }
0x30: {  	s3 =	sld [smem:$0x3FAE]  }
0x31: {  	[smem:$0x3FB7] =	sst s10  }
0x32: {  	s10 =	sld [smem:$0x3FB5];
	_ =	sdelay $0x3  }
0x33: {  	p0 =	seq.s32 s10, $0x1;
	s10 =	sld [smem:$0x3FB7];
	_ =	sdelay $0x3  }
0x34: {  	[smem:$0x3FB7] =	sst s10  }
0x35: {  	s10 =	sld [smem:$0x3FB6];
	_ =	sdelay $0x3  }
0x36: {  	p1 =	seq.s32 s10, $0x1;
	s10 =	sld [smem:$0x3FB7];
	_ =	sdelay $0x3  }
0x37: {  	[smem:$0x3FB7] =	sst s10  }
0x38: {  	s10 =	sld [smem:$0x3FB8]  }
0x39: {  	_ = 	snop;
	(pc) =	sbr.ind lr, $3  }
0x3a: {  	_ = 	snop  }
0x3b: {  	_ = 	snop  }
0x3c: {  	p2 =	seq.s32 s10, $0x1;
	s10 =	sld [smem:$0x3FB7]  }
0x3d: {  	_ =	shalt  }
0x3e: {  	_ =	shalt  }
0x3f: {  	_ =	shalt  }
0x40: {  	_ =	shalt  }
0x41: {  	_ =	shalt  }
0x42: {  	_ =	shalt  }
0x43: {  	_ =	shalt  }
0x44: {  	_ =	shalt  }
0x45: {  	_ =	shalt  }
0x46: {  	_ =	shalt  }
0x47: {  	_ =	shalt  }
0x48: {  	_ =	shalt  }
0x49: {  	_ =	shalt  }
0x4a: {  	_ =	shalt  }
0x4b: {  	_ =	shalt  }
0x4c: {  	_ =	shalt  }
0x4d: {  	_ =	shalt  }
0x4e: {  	_ =	shalt  }
0x4f: {  	_ =	shalt  }
0x50: {  	_ =	shalt  }
0x51: {  	_ =	shalt  }
0x52: {  	_ =	shalt  }
0x53: {  	_ =	shalt  }
0x54: {  	_ =	shalt  }
0x55: {  	_ =	shalt  }
0x56: {  	_ =	shalt  }
0x57: {  	_ =	shalt  }
0x58: {  	_ =	shalt  }
0x59: {  	_ =	shalt  }
0x5a: {  	_ =	shalt  }
0x5b: {  	_ =	shalt  }
0x5c: {  	_ =	shalt  }
0x5d: {  	_ =	shalt  }
0x5e: {  	_ =	shalt  }
0x5f: {  	_ =	shalt  }
0x60: {  	_ =	shalt  }
0x61: {  	_ =	shalt  }
0x62: {  	_ =	shalt  }
0x63: {  	_ =	shalt  }
0x64: {  	_ =	shalt  }
0x65: {  	_ =	shalt  }
0x66: {  	_ =	shalt  }
0x67: {  	_ =	shalt  }
0x68: {  	_ =	shalt  }
0x69: {  	_ =	shalt  }
0x6a: {  	_ =	shalt  }
0x6b: {  	_ =	shalt  }
0x6c: {  	_ =	shalt  }
0x6d: {  	_ =	shalt  }
0x6e: {  	_ =	shalt  }
0x6f: {  	_ =	shalt  }
0x70: {  	_ =	shalt  }
0x71: {  	_ =	shalt  }
0x72: {  	_ =	shalt  }
0x73: {  	_ =	shalt  }
0x74: {  	_ =	shalt  }
0x75: {  	_ =	shalt  }
0x76: {  	_ =	shalt  }
0x77: {  	_ =	shalt  }
0x78: {  	_ =	shalt  }
0x79: {  	_ =	shalt  }
0x7a: {  	_ =	shalt  }
0x7b: {  	_ =	shalt  }
0x7c: {  	_ =	shalt  }
0x7d: {  	_ =	shalt  }
0x7e: {  	_ =	shalt  }
0x7f: {  	_ =	shalt  }
0x80: {  	_ =	shalt  }
0x81: {  	_ =	shalt  }
0x82: {  	_ =	shalt  }
0x83: {  	_ =	shalt  }
0x84: {  	_ =	shalt  }
0x85: {  	_ =	shalt  }
0x86: {  	_ =	shalt  }
0x87: {  	_ =	shalt  }
.Lfunc_end0:
.L_simem_size_0:
called_computation_lowered:
.L_overlay_start_0:
0x88: {  	s2 =	sld [smem:$0x3FD9]  }
0x89: {  	s3 =	sld [smem:$0x3FFE];
	_ =	sdelay $0x1  }
0x8a: {  	s1 =	srdreg.scid  }
0x8b: {  	s0 =	sand.u32 $0x1, s1  }
0x8c: {  	s17 =	sshll.u32 s0, $0xA;
	s2 =	sadd.s32 s3, s2  }
0x8d: {  	s2 =	sadd.s32 s2, s17  }
0x8e: {  	[smem:$0x3FC3] =	sst s2  }
0x8f: {  	_ = 	snop  }
0x90: {  	s2 =	sld [smem:$0x3FD0];
	(tm) =	ssettm $0x1  }
0x91: {  	s18 =	sld [smem:$0x3FFB];
	_ =	sdelay $0x3  }
0x92: {  	_ =	strace s18  }
0x93: {  	s3 =	sld [smem:$0x3FFC];
	_ =	sdelay $0x3  }
0x94: {  	_ =	strace s3  }
0x95: {  	s3 =	sld [smem:$0x3FFD];
	_ =	sdelay $0x3  }
0x96: {  	_ =	strace s3  }
0x97: {  	_ =	strace $0x8FFFFFFF  }
0x98: {  	s19 =	sld [smem:$0x3FDB];
	_ =	sdelay $0x1  }
0x99: {  	s4 =	simm.s32 $_scs_section_size  }
0x9a: {  	s5 =	simm.s32 $_size__tile_overlayer_lowered;
	s6 =	simm.s32 $_tile_overlayer_lowered  }
0x9b: {  	s22 =	simm.s32 $0x1BFF;
	s21 =	sshll.u32 s6, $0x1;
	s3 =	sadd.s32 s4, s19  }
0x9c: {  	s7 =	simm.s32 $0x0;
	s20 =	sshll.u32 s5, $0x1;
	s5 =	sadd.s32 s21, s3  }
0x9d: {  	[timem:s7], [sflag:s22] =	dma.local [hbm:s5], s20  }
0x9e: {  	_ =	swait.ge [sflag:s22], s20  }
0x9f: {  	s4 =	ssub.s32 $0x0, s20;
	[sflag:s22] =	ssyncset.done $0x0  }
0xa0: {  	[sflag:s22] =	ssyncadd.s32 s4;
	_ =	sdelay $0x1  }
0xa1: {  	s23 =	simm.s32 $0x1B8B  }
0xa2: {  	_ =	swait.ge [sflag:s23], $0x1  }
0xa3: {  	[sflag:s23] =	ssyncset.done $0x0  }
0xa4: {  	s25 =	simm.s32 $0x1B8E;
	s24 =	sld [smem:$0x3FFE];
	[sflag:s23] =	ssyncadd.s32 $0xFFFFFFFF  }
0xa5: {  	s26 =	simm.s32 $execute0_lowered;
	[smem:$0x3FD2] =	sst s25  }
0xa6: {  	s5 =	sshll.u32 s26, $0x1;
	_ =	strace $0x80000046;
	[dreg:$0x1] =	wrdreg $0xFFFFFFFF  }
0xa7: {  	s28 =	simm.s32 $_size_execute0_lowered;
	s3 =	sadd.s32 s3, s5;
	[dreg:$0x0] =	wrdreg $0x0  }
0xa8: {  	s5 =	sshll.u32 s28, $0x1;
	[dreg:$0x2] =	wrdreg s3  }
0xa9: {  	[dreg:$0x3] =	wrdreg s5  }
0xaa: {  	[dreg:$0x4] =	wrdreg $0xC0  }
0xab: {  	_ =	task [dreg:s7], $0x5FFFF  }
0xac: {  	[dreg:$0x1] =	wrdreg $0xFFFFFFFF  }
0xad: {  	[dreg:$0x0] =	wrdreg $0x60  }
0xae: {  	[dreg:$0x2] =	wrdreg s24  }
0xaf: {  	[dreg:$0x3] =	wrdreg s2  }
0xb0: {  	[dreg:$0x4] =	wrdreg $0x9  }
0xb1: {  	_ =	task.clear_ibuf [dreg:s7], $0x5FFFF;
	_ =	strace $0x90000046  }
0xb2: {  	s29 =	simm.s32 $0x9;
	_ =	strace $0x80000048  }
0xb3: {  	_ =	swait.ge [sflag:s29], $0x1  }
0xb4: {  	[sflag:s29] =	ssyncadd.s32 $0xFFFFFFFF  }
0xb5: {  	_ =	strace $0x90000048  }
0xb6: {  	_ =	sfence  }
0xb7: {  	s30 =	sld [smem:$0x0];
	_ =	sdelay $0x2  }
0xb8: {  	s31 =	sshll.u32 s1, $0xD;
	s1 =	sshrl.u32 s1, $0x2  }
0xb9: {  	s3 =	sand.u32 $0x4000, s31;
	s1 =	sadd.s32 s1, s30  }
0xba: {  	s0 =	sor.u32 s3, s0;
	s1 =	sshll.u32 s1, $0x11  }
0xbb: {  	s0 =	sor.u32 s1, s0  }
0xbc: {  	s0 =	sadd.s32 $0x8F2B, s0  }
0xbd: {  	[sflag:s0] =	ssyncadd.remote.s32 $0x1  }
0xbe: {  	_ =	sfence.sel $0xFFFF  }
0xbf: {  	[dreg:$0x0] =	wrdreg $0xFFFFFFFF;
	(pc) =	sbr.abs _section_cstart, $3  }
0xc0: {  	[dreg:$0x1] =	wrdreg $0xFFFFFFFF  }
0xc1: {  	_ =	task.clear_ibuf [dreg:s7], $0x2FFFF;
	_ =	strace $0x9FFFFFFF  }
0xc2: {  	(tm) =	ssettm $0x7FFFFFFF  }
0xc3: {  	_ =	shalt  }
tec
execute0_lowered:
.L_overlay_start_1:
0x0: {  	(tag) =	ssettag $0x1  }
0x1: {  	s3 =	rddreg [dreg:$0x0];
	s1 =	srdreg.scid  }
0x2: {  	s0 =	stileid.u32;
	s5 =	rddreg [dreg:$0x1]  }
0x3: {  	s2 =	simm.s32 $0x0;
	s9 =	simm.s32 $0x400;
	s10 =	simm.s32 $0xC00  }
0x4: {  	s11 =	simm.s32 $0x100;
	s12 =	simm.s32 $0x1400;
	s13 =	simm.s32 $0x180  }
0x5: {  	s14 =	simm.s32 $0x1C00;
	s15 =	simm.s32 $0x200;
	s16 =	simm.s32 $0x2400  }
0x6: {  	s17 =	simm.s32 $0x280;
	s18 =	simm.s32 $0x2C00;
	s19 =	simm.s32 $0x300  }
0x7: {  	v0 =	vlaneseq.u32;
	s20 =	simm.s32 $0x3400;
	s21 =	simm.s32 $0x380;
	s22 =	simm.s32 $0x3C00  }
0x8: {  	s23 =	simm.s32 $0x1;
	s24 =	simm.s32 $0x4400;
	s25 =	simm.s32 $0x4500;
	v0 =	vmul.u32 $0x10, v0  }
0x9: {  	s26 =	simm.s32 $0x0;
	s4 =	sand.u32 $0x1, s1;
	s6 =	sshll.u32 s0, $0x1  }
0xa: {  	[smem:$0x7FF] =	sst s2;
	s6 =	sor.u32 s4, s6;
	s4 =	ssub.s32 $0x2, s4;
	v1 =	vor.u32 $0x1, v0;
	v2 =	vor.u32 $0x2, v0;
	v3 =	vor.u32 $0x3, v0  }
0xb: {  	_ =	strace $0x80000047;
	s7 =	sshll.u32 s6, $0x7;
	s8 =	sshrl.u32 s4, $0x1;
	v4 =	vor.u32 $0x4, v0;
	v5 =	vor.u32 $0x5, v0;
	v6 =	vor.u32 $0x6, v0  }
0xc: {  	s6 =	sshll.u32 s6, $0x6;
	v7 =	vor.u32 $0x7, v0;
	v8 =	vor.u32 $0x8, v0;
	v9 =	vor.u32 $0x9, v0;
	s7 =	sadd.s32 s7, s3;
	s3 =	sadd.s32 $0xF42E00, s3  }
0xd: {  	v10 =	vor.u32 $0xA, v0;
	v11 =	vor.u32 $0xB, v0;
	v12 =	vor.u32 $0xC, v0;
	s8 =	ssub.s32 s4, s8;
	s5 =	sadd.s32 s5, s6;
	s4 =	sadd.s32 $0xA00, s7  }
0xe: {  	v13 =	vor.u32 $0xD, v0;
	v14 =	vor.u32 $0xE, v0;
	v15 =	vor.u32 $0xF, v0;
	s6 =	smax.u32 s8, $0x1;
	s7 =	simm.s32 $0x2;
	s8 =	simm.s32 $0x80  }
.LBB2_1:
0xf: {  	[tilespmem:s2], [sflag:$0x2] =	stream.linear.gather [hbm4b:s4+s2], $0x400, $0x38;
	[tilespmem:$0x4700] =	vst v63  }
0x10: {  	_ =	swait.ge [sflag:s7], $0x400  }
0x11: {  	[sflag:s7] =	ssyncset.done $0x0  }
0x12: {  	[sflag:s7] =	ssyncadd.s32 $0xFFFFFC00  }
0x13: {  	[tilespmem:s9], [sflag:$0x1] =	stream.indirect.gather [hbm4b:s3+s8], $0x10, s2, s8, $0xb8;
	[tilespmem:$0x4700] =	vst v63  }
0x14: {  	_ = 	snop  }
0x15: {  	[tilespmem:s10], [sflag:$0x1] =	stream.indirect.gather [hbm4b:s3+s8], $0x10, s8, s8, $0xb8;
	[tilespmem:$0x4700] =	vst v63  }
0x16: {  	_ = 	snop  }
0x17: {  	[tilespmem:s12], [sflag:$0x1] =	stream.indirect.gather [hbm4b:s3+s8], $0x10, s11, s8, $0xb8;
	[tilespmem:$0x4700] =	vst v63  }
0x18: {  	_ = 	snop  }
0x19: {  	[tilespmem:s14], [sflag:$0x1] =	stream.indirect.gather [hbm4b:s3+s8], $0x10, s13, s8, $0xb8;
	[tilespmem:$0x4700] =	vst v63  }
0x1a: {  	_ = 	snop  }
0x1b: {  	[tilespmem:s16], [sflag:$0x1] =	stream.indirect.gather [hbm4b:s3+s8], $0x10, s15, s8, $0xb8;
	[tilespmem:$0x4700] =	vst v63  }
0x1c: {  	_ = 	snop  }
0x1d: {  	[tilespmem:s18], [sflag:$0x1] =	stream.indirect.gather [hbm4b:s3+s8], $0x10, s17, s8, $0xb8;
	[tilespmem:$0x4700] =	vst v63  }
0x1e: {  	_ = 	snop  }
0x1f: {  	[tilespmem:s20], [sflag:$0x1] =	stream.indirect.gather [hbm4b:s3+s8], $0x10, s19, s8, $0xb8;
	[tilespmem:$0x4700] =	vst v63  }
0x20: {  	_ = 	snop  }
0x21: {  	[tilespmem:s22], [sflag:$0x1] =	stream.indirect.gather [hbm4b:s3+s8], $0x10, s21, s8, $0xb8;
	[tilespmem:$0x4700] =	vst v63  }
0x22: {  	_ =	swait.ge [sflag:s23], $0x800  }
0x23: {  	[sflag:s23] =	ssyncset.done $0x0  }
0x24: {  	[sflag:s23] =	ssyncadd.s32 $0xFFFFF800  }
0x25: {  	_ =	swait.ge [sflag:s23], $0x800  }
0x26: {  	[sflag:s23] =	ssyncset.done $0x0  }
0x27: {  	[sflag:s23] =	ssyncadd.s32 $0xFFFFF800  }
0x28: {  	_ =	swait.ge [sflag:s23], $0x800  }
0x29: {  	[sflag:s23] =	ssyncset.done $0x0  }
0x2a: {  	[sflag:s23] =	ssyncadd.s32 $0xFFFFF800  }
0x2b: {  	_ =	swait.ge [sflag:s23], $0x800  }
0x2c: {  	[sflag:s23] =	ssyncset.done $0x0  }
0x2d: {  	[sflag:s23] =	ssyncadd.s32 $0xFFFFF800  }
0x2e: {  	_ =	swait.ge [sflag:s23], $0x800  }
0x2f: {  	[sflag:s23] =	ssyncset.done $0x0  }
0x30: {  	[sflag:s23] =	ssyncadd.s32 $0xFFFFF800  }
0x31: {  	_ =	swait.ge [sflag:s23], $0x800  }
0x32: {  	[sflag:s23] =	ssyncset.done $0x0  }
0x33: {  	[sflag:s23] =	ssyncadd.s32 $0xFFFFF800  }
0x34: {  	_ =	swait.ge [sflag:s23], $0x800  }
0x35: {  	[sflag:s23] =	ssyncset.done $0x0  }
0x36: {  	[sflag:s23] =	ssyncadd.s32 $0xFFFFF800  }
0x37: {  	_ =	swait.ge [sflag:s23], $0x800  }
0x38: {  	[sflag:s23] =	ssyncset.done $0x0  }
0x39: {  	s28 =	simm.s32 $0x500;
	[sflag:s23] =	ssyncadd.s32 $0xFFFFF800  }
0x3a: {  	v16 =	vld [tilespmem:s28+$0xFFFFFF10]  }
0x3b: {  	v17 =	vld [tilespmem:s28+$0xFFFFFF00];
	_ =	sdelay $0x4  }
0x3c: {  	v16 =	vmul.f32 v16, v17;
	_ =	sdelay $0x1  }
0x3d: {  	[tilespmem:v0+s24+$0x0] =	vst.idx.msk $0xffff, v16  }
0x3e: {  	v16 =	vld [tilespmem:s28+$0xFFFFFF20]  }
0x3f: {  	v17 =	vld [tilespmem:s28+$0xFFFFFF30];
	_ =	sdelay $0x4  }
0x40: {  	v16 =	vmul.f32 v17, v16;
	_ =	sdelay $0x1  }
0x41: {  	[tilespmem:v1+s24+$0x0] =	vst.idx.msk $0xffff, v16  }
0x42: {  	v16 =	vld [tilespmem:s28+$0xFFFFFF40]  }
0x43: {  	v17 =	vld [tilespmem:s28+$0xFFFFFF50];
	_ =	sdelay $0x4  }
0x44: {  	v16 =	vmul.f32 v17, v16;
	_ =	sdelay $0x1  }
0x45: {  	[tilespmem:v2+s24+$0x0] =	vst.idx.msk $0xffff, v16  }
0x46: {  	v16 =	vld [tilespmem:s28+$0xFFFFFF60]  }
0x47: {  	v17 =	vld [tilespmem:s28+$0xFFFFFF70];
	_ =	sdelay $0x4  }
0x48: {  	v16 =	vmul.f32 v17, v16;
	_ =	sdelay $0x1  }
0x49: {  	[tilespmem:v3+s24+$0x0] =	vst.idx.msk $0xffff, v16  }
0x4a: {  	v16 =	vld [tilespmem:s28+$0xFFFFFF80]  }
0x4b: {  	v17 =	vld [tilespmem:s28+$0xFFFFFF90];
	_ =	sdelay $0x4  }
0x4c: {  	v16 =	vmul.f32 v17, v16;
	_ =	sdelay $0x1  }
0x4d: {  	[tilespmem:v4+s24+$0x0] =	vst.idx.msk $0xffff, v16  }
0x4e: {  	v16 =	vld [tilespmem:s28+$0xFFFFFFA0]  }
0x4f: {  	v17 =	vld [tilespmem:s28+$0xFFFFFFB0];
	_ =	sdelay $0x4  }
0x50: {  	v16 =	vmul.f32 v17, v16;
	_ =	sdelay $0x1  }
0x51: {  	[tilespmem:v5+s24+$0x0] =	vst.idx.msk $0xffff, v16  }
0x52: {  	v16 =	vld [tilespmem:s28+$0xFFFFFFC0]  }
0x53: {  	v17 =	vld [tilespmem:s28+$0xFFFFFFD0];
	_ =	sdelay $0x4  }
0x54: {  	v16 =	vmul.f32 v17, v16;
	_ =	sdelay $0x1  }
0x55: {  	[tilespmem:v6+s24+$0x0] =	vst.idx.msk $0xffff, v16  }
0x56: {  	v16 =	vld [tilespmem:s28+$0xFFFFFFE0]  }
0x57: {  	v17 =	vld [tilespmem:s28+$0xFFFFFFF0];
	_ =	sdelay $0x4  }
0x58: {  	v16 =	vmul.f32 v17, v16;
	_ =	sdelay $0x1  }
0x59: {  	[tilespmem:v7+s24+$0x0] =	vst.idx.msk $0xffff, v16  }
0x5a: {  	v16 =	vld [tilespmem:s28+$0x0]  }
0x5b: {  	v17 =	vld [tilespmem:s28+$0x10];
	_ =	sdelay $0x4  }
0x5c: {  	v16 =	vmul.f32 v17, v16;
	_ =	sdelay $0x1  }
0x5d: {  	[tilespmem:v8+s24+$0x0] =	vst.idx.msk $0xffff, v16  }
0x5e: {  	v16 =	vld [tilespmem:s28+$0x20]  }
0x5f: {  	v17 =	vld [tilespmem:s28+$0x30];
	_ =	sdelay $0x4  }
0x60: {  	v16 =	vmul.f32 v17, v16;
	_ =	sdelay $0x1  }
0x61: {  	[tilespmem:v9+s24+$0x0] =	vst.idx.msk $0xffff, v16  }
0x62: {  	v16 =	vld [tilespmem:s28+$0x40]  }
0x63: {  	v17 =	vld [tilespmem:s28+$0x50];
	_ =	sdelay $0x4  }
0x64: {  	v16 =	vmul.f32 v17, v16;
	_ =	sdelay $0x1  }
0x65: {  	[tilespmem:v10+s24+$0x0] =	vst.idx.msk $0xffff, v16  }
0x66: {  	v16 =	vld [tilespmem:s28+$0x60]  }
0x67: {  	v17 =	vld [tilespmem:s28+$0x70];
	_ =	sdelay $0x4  }
0x68: {  	v16 =	vmul.f32 v17, v16;
	_ =	sdelay $0x1  }
0x69: {  	[tilespmem:v11+s24+$0x0] =	vst.idx.msk $0xffff, v16  }
0x6a: {  	v16 =	vld [tilespmem:s28+$0x80]  }
0x6b: {  	v17 =	vld [tilespmem:s28+$0x90];
	_ =	sdelay $0x4  }
0x6c: {  	v16 =	vmul.f32 v17, v16;
	_ =	sdelay $0x1  }
0x6d: {  	[tilespmem:v12+s24+$0x0] =	vst.idx.msk $0xffff, v16  }
0x6e: {  	v16 =	vld [tilespmem:s28+$0xA0]  }
0x6f: {  	v17 =	vld [tilespmem:s28+$0xB0];
	_ =	sdelay $0x4  }
0x70: {  	v16 =	vmul.f32 v17, v16;
	_ =	sdelay $0x1  }
0x71: {  	[tilespmem:v13+s24+$0x0] =	vst.idx.msk $0xffff, v16  }
0x72: {  	v16 =	vld [tilespmem:s28+$0xC0]  }
0x73: {  	v17 =	vld [tilespmem:s28+$0xD0];
	_ =	sdelay $0x4  }
0x74: {  	v16 =	vmul.f32 v17, v16;
	_ =	sdelay $0x1  }
0x75: {  	[tilespmem:v14+s24+$0x0] =	vst.idx.msk $0xffff, v16  }
0x76: {  	v16 =	vld [tilespmem:s28+$0xE0]  }
0x77: {  	v17 =	vld [tilespmem:s28+$0xF0];
	_ =	sdelay $0x4  }
0x78: {  	v16 =	vmul.f32 v17, v16;
	_ =	sdelay $0x1  }
0x79: {  	[tilespmem:v15+s24+$0x0] =	vst.idx.msk $0xffff, v16  }
0x7a: {  	v16 =	vld [tilespmem:$0x4400]  }
0x7b: {  	v17 =	vld [tilespmem:$0x4410]  }
0x7c: {  	v18 =	vld [tilespmem:$0x4420]  }
0x7d: {  	v19 =	vld [tilespmem:$0x4430]  }
0x7e: {  	v23 =	vld [tilespmem:$0x4440]  }
0x7f: {  	v24 =	vld [tilespmem:$0x4450];
	v16 =	vsub.f32 $0.0e+00, v16  }
0x80: {  	v25 =	vld [tilespmem:$0x4460]  }
0x81: {  	v20 =	vld [tilespmem:$0x4470];
	v17 =	vadd.f32 v17, v16  }
0x82: {  	v21 =	vld [tilespmem:$0x4490]  }
0x83: {  	v22 =	vld [tilespmem:$0x44B0];
	v18 =	vadd.f32 v18, v17  }
0x84: {  	v16 =	vld [tilespmem:$0x4480]  }
0x85: {  	v17 =	vld [tilespmem:$0x44A0];
	v19 =	vadd.f32 v19, v18  }
0x86: {  	v18 =	vld [tilespmem:$0x44C0]  }
0x87: {  	v26 =	vadd.f32 v23, v19;
	v23 =	vld [tilespmem:$0x44D0]  }
0x88: {  	v19 =	vld [tilespmem:$0x44E0]  }
0x89: {  	s30 =	simm.s32 $0x40;
	s29 =	simm.s32 $0x0;
	v26 =	vadd.f32 v24, v26;
	v24 =	vld [tilespmem:$0x44F0]  }
.LBB2_2:
0x8a: {  	p0 =	sne.s32 s30, $0x7C0  }
0x8b: {  	s28 =	sadd.s32 $0x200, s28;
	s31 =	smov.u32 s30;
	s30 =	sadd.s32 $0x40, s30;
	v25 =	vadd.f32 v25, v26  }
0x8c: {  	_ = 	snop  }
0x8d: {  	v20 =	vadd.f32 v20, v25;
	_ =	sdelay $0x1  }
0x8e: {  	v16 =	vadd.f32 v16, v20;
	_ =	sdelay $0x1  }
0x8f: {  	v16 =	vadd.f32 v21, v16;
	_ =	sdelay $0x1  }
0x90: {  	v16 =	vadd.f32 v17, v16;
	_ =	sdelay $0x1  }
0x91: {  	v16 =	vadd.f32 v22, v16;
	_ =	sdelay $0x1  }
0x92: {  	v16 =	vadd.f32 v18, v16;
	_ =	sdelay $0x1  }
0x93: {  	v16 =	vadd.f32 v23, v16;
	_ =	sdelay $0x1  }
0x94: {  	v16 =	vadd.f32 v19, v16;
	_ =	sdelay $0x1  }
0x95: {  	s1 =	sshra.s32 s29, $0x2;
	s29 =	smov.u32 s31;
	v16 =	vadd.f32 v24, v16;
	_ =	sdelay $0x1  }
0x96: {  	[tilespmem:s1+$0x4500] =	vst v16  }
0x97: {  	v16 =	vld [tilespmem:s28+$0xFFFFFF10]  }
0x98: {  	v17 =	vld [tilespmem:s28+$0xFFFFFF00];
	_ =	sdelay $0x4  }
0x99: {  	v16 =	vmul.f32 v16, v17;
	_ =	sdelay $0x1  }
0x9a: {  	[tilespmem:v0+s24+$0x0] =	vst.idx.msk $0xffff, v16  }
0x9b: {  	v16 =	vld [tilespmem:s28+$0xFFFFFF20]  }
0x9c: {  	v17 =	vld [tilespmem:s28+$0xFFFFFF30];
	_ =	sdelay $0x4  }
0x9d: {  	v16 =	vmul.f32 v17, v16;
	_ =	sdelay $0x1  }
0x9e: {  	[tilespmem:v1+s24+$0x0] =	vst.idx.msk $0xffff, v16  }
0x9f: {  	v16 =	vld [tilespmem:s28+$0xFFFFFF40]  }
0xa0: {  	v17 =	vld [tilespmem:s28+$0xFFFFFF50];
	_ =	sdelay $0x4  }
0xa1: {  	v16 =	vmul.f32 v17, v16;
	_ =	sdelay $0x1  }
0xa2: {  	[tilespmem:v2+s24+$0x0] =	vst.idx.msk $0xffff, v16  }
0xa3: {  	v16 =	vld [tilespmem:s28+$0xFFFFFF60]  }
0xa4: {  	v17 =	vld [tilespmem:s28+$0xFFFFFF70];
	_ =	sdelay $0x4  }
0xa5: {  	v16 =	vmul.f32 v17, v16;
	_ =	sdelay $0x1  }
0xa6: {  	[tilespmem:v3+s24+$0x0] =	vst.idx.msk $0xffff, v16  }
0xa7: {  	v16 =	vld [tilespmem:s28+$0xFFFFFF80]  }
0xa8: {  	v17 =	vld [tilespmem:s28+$0xFFFFFF90];
	_ =	sdelay $0x4  }
0xa9: {  	v16 =	vmul.f32 v17, v16;
	_ =	sdelay $0x1  }
0xaa: {  	[tilespmem:v4+s24+$0x0] =	vst.idx.msk $0xffff, v16  }
0xab: {  	v16 =	vld [tilespmem:s28+$0xFFFFFFA0]  }
0xac: {  	v17 =	vld [tilespmem:s28+$0xFFFFFFB0];
	_ =	sdelay $0x4  }
0xad: {  	v16 =	vmul.f32 v17, v16;
	_ =	sdelay $0x1  }
0xae: {  	[tilespmem:v5+s24+$0x0] =	vst.idx.msk $0xffff, v16  }
0xaf: {  	v16 =	vld [tilespmem:s28+$0xFFFFFFC0]  }
0xb0: {  	v17 =	vld [tilespmem:s28+$0xFFFFFFD0];
	_ =	sdelay $0x4  }
0xb1: {  	v16 =	vmul.f32 v17, v16;
	_ =	sdelay $0x1  }
0xb2: {  	[tilespmem:v6+s24+$0x0] =	vst.idx.msk $0xffff, v16  }
0xb3: {  	v16 =	vld [tilespmem:s28+$0xFFFFFFE0]  }
0xb4: {  	v17 =	vld [tilespmem:s28+$0xFFFFFFF0];
	_ =	sdelay $0x4  }
0xb5: {  	v16 =	vmul.f32 v17, v16;
	_ =	sdelay $0x1  }
0xb6: {  	[tilespmem:v7+s24+$0x0] =	vst.idx.msk $0xffff, v16  }
0xb7: {  	v16 =	vld [tilespmem:s28+$0x0]  }
0xb8: {  	v17 =	vld [tilespmem:s28+$0x10];
	_ =	sdelay $0x4  }
0xb9: {  	v16 =	vmul.f32 v17, v16;
	_ =	sdelay $0x1  }
0xba: {  	[tilespmem:v8+s24+$0x0] =	vst.idx.msk $0xffff, v16  }
0xbb: {  	v16 =	vld [tilespmem:s28+$0x20]  }
0xbc: {  	v17 =	vld [tilespmem:s28+$0x30];
	_ =	sdelay $0x4  }
0xbd: {  	v16 =	vmul.f32 v17, v16;
	_ =	sdelay $0x1  }
0xbe: {  	[tilespmem:v9+s24+$0x0] =	vst.idx.msk $0xffff, v16  }
0xbf: {  	v16 =	vld [tilespmem:s28+$0x40]  }
0xc0: {  	v17 =	vld [tilespmem:s28+$0x50];
	_ =	sdelay $0x4  }
0xc1: {  	v16 =	vmul.f32 v17, v16;
	_ =	sdelay $0x1  }
0xc2: {  	[tilespmem:v10+s24+$0x0] =	vst.idx.msk $0xffff, v16  }
0xc3: {  	v16 =	vld [tilespmem:s28+$0x60]  }
0xc4: {  	v17 =	vld [tilespmem:s28+$0x70];
	_ =	sdelay $0x4  }
0xc5: {  	v16 =	vmul.f32 v17, v16;
	_ =	sdelay $0x1  }
0xc6: {  	[tilespmem:v11+s24+$0x0] =	vst.idx.msk $0xffff, v16  }
0xc7: {  	v16 =	vld [tilespmem:s28+$0x80]  }
0xc8: {  	v17 =	vld [tilespmem:s28+$0x90];
	_ =	sdelay $0x4  }
0xc9: {  	v16 =	vmul.f32 v17, v16;
	_ =	sdelay $0x1  }
0xca: {  	[tilespmem:v12+s24+$0x0] =	vst.idx.msk $0xffff, v16  }
0xcb: {  	v16 =	vld [tilespmem:s28+$0xA0]  }
0xcc: {  	v17 =	vld [tilespmem:s28+$0xB0];
	_ =	sdelay $0x4  }
0xcd: {  	v16 =	vmul.f32 v17, v16;
	_ =	sdelay $0x1  }
0xce: {  	[tilespmem:v13+s24+$0x0] =	vst.idx.msk $0xffff, v16  }
0xcf: {  	v16 =	vld [tilespmem:s28+$0xC0]  }
0xd0: {  	v17 =	vld [tilespmem:s28+$0xD0];
	_ =	sdelay $0x4  }
0xd1: {  	v16 =	vmul.f32 v17, v16;
	_ =	sdelay $0x1  }
0xd2: {  	[tilespmem:v14+s24+$0x0] =	vst.idx.msk $0xffff, v16  }
0xd3: {  	v16 =	vld [tilespmem:s28+$0xE0]  }
0xd4: {  	v17 =	vld [tilespmem:s28+$0xF0];
	_ =	sdelay $0x4  }
0xd5: {  	v16 =	vmul.f32 v17, v16;
	_ =	sdelay $0x1  }
0xd6: {  	[tilespmem:v15+s24+$0x0] =	vst.idx.msk $0xffff, v16  }
0xd7: {  	v16 =	vld [tilespmem:$0x4400]  }
0xd8: {  	v17 =	vld [tilespmem:$0x4410]  }
0xd9: {  	v18 =	vld [tilespmem:$0x4420]  }
0xda: {  	v19 =	vld [tilespmem:$0x4430]  }
0xdb: {  	v23 =	vld [tilespmem:$0x4440]  }
0xdc: {  	v16 =	vsub.f32 $0.0e+00, v16;
	v24 =	vld [tilespmem:$0x4450]  }
0xdd: {  	v25 =	vld [tilespmem:$0x4460]  }
0xde: {  	v17 =	vadd.f32 v17, v16;
	v20 =	vld [tilespmem:$0x4470]  }
0xdf: {  	v16 =	vld [tilespmem:$0x4480]  }
0xe0: {  	v18 =	vadd.f32 v18, v17;
	v21 =	vld [tilespmem:$0x4490]  }
0xe1: {  	v17 =	vld [tilespmem:$0x44A0]  }
.Ltmp0:
0xe2: {  	v19 =	vadd.f32 v19, v18;
	v22 =	vld [tilespmem:$0x44B0];
	(pc) =	sbr.rel @p0 .LBB2_2-.Ltmp0, $4  }
0xe3: {  	v18 =	vld [tilespmem:$0x44C0]  }
0xe4: {  	v26 =	vadd.f32 v23, v19;
	v23 =	vld [tilespmem:$0x44D0]  }
0xe5: {  	v19 =	vld [tilespmem:$0x44E0]  }
0xe6: {  	v26 =	vadd.f32 v24, v26;
	v24 =	vld [tilespmem:$0x44F0]  }
0xe7: {  	_ = 	snop  }
0xe8: {  	v25 =	vadd.f32 v25, v26;
	_ =	sdelay $0x1  }
0xe9: {  	v20 =	vadd.f32 v20, v25;
	_ =	sdelay $0x1  }
0xea: {  	v16 =	vadd.f32 v16, v20;
	_ =	sdelay $0x1  }
0xeb: {  	v16 =	vadd.f32 v21, v16;
	_ =	sdelay $0x1  }
0xec: {  	v16 =	vadd.f32 v17, v16;
	_ =	sdelay $0x1  }
0xed: {  	v16 =	vadd.f32 v22, v16;
	_ =	sdelay $0x1  }
0xee: {  	v16 =	vadd.f32 v18, v16;
	_ =	sdelay $0x1  }
0xef: {  	v16 =	vadd.f32 v23, v16;
	_ =	sdelay $0x1  }
0xf0: {  	v16 =	vadd.f32 v19, v16;
	_ =	sdelay $0x1  }
0xf1: {  	s26 =	sadd.s32 $0x1, s26;
	v16 =	vadd.f32 v24, v16  }
0xf2: {  	s1 =	sshra.s32 s29, $0x2;
	p0 =	sne.s32 s26, s6  }
.Ltmp1:
0xf3: {  	[tilespmem:s1+$0x4500] =	vst v16;
	(pc) =	sbr.rel @p0 .LBB2_1-.Ltmp1, $4  }
0xf4: {  	[hbm4b:s5+s2] =	stream.linear.scatter [tilespmem:s25], [sflag:$0x2], $0x200, $0x38;
	[tilespmem:$0x4700] =	vst v63  }
0xf5: {  	_ =	swait.ge [sflag:s7], $0x200  }
0xf6: {  	[sflag:s7] =	ssyncset.done $0x0  }
0xf7: {  	[sflag:s7] =	ssyncadd.s32 $0xFFFFFE00  }
0xf8: {  	_ =	sfence.sel $0x180000  }
0xf9: {  	[bflag:$0x0] =	sbarrier.arrive $0xFFFF  }
0xfa: {  	_ =	strace $0x90000047  }
0xfb: {  	[bflag:$0x2] =	sbarrier.arrive $0xFFFF  }
0xfc: {  	p0 =	sne.s32 s0, $0x0;
	s0 =	rddreg [dreg:$0x2]  }
0xfd: {  	s0 =	sadd.s32 @!p0 $0x100000, s0  }
0xfe: {  	[sflag:s0] =	ssyncadd.tile.s32 @!p0 $0x1;
	_ =	shalt  }
.Lfunc_end2:
_tile_overlayer_lowered:
.L_overlay_start_2:
0xff: {  	(tag) =	ssettag $0x2  }
0x100: {  	s0 =	rddreg [dreg:$0x0];
	s2 =	stileid.u32  }
0x101: {  	s1 =	rddreg [dreg:$0x1];
	p0 =	sne.s32 s2, $0x0  }
0x102: {  	s3 =	rddreg [dreg:$0x2];
	[bflag:$0x3] =	sbarrier.arrive $0xFFFF;
	s2 =	simm.s32 @!p0 $0x1C02  }
0x103: {  	[timem:s3], [sflag:s2] =	dma.local @!p0 [hbm:s0], s1  }
0x104: {  	s0 =	simm.s32 @!p0 $0x2  }
0x105: {  	_ =	swait.ge @!p0 [sflag:s0], s1  }
0x106: {  	s1 =	ssub.s32 @!p0 $0x0, s1;
	[sflag:s0] =	ssyncset.done @!p0 $0x0  }
0x107: {  	[sflag:s0] =	ssyncadd.s32 @!p0 s1  }
0x108: {  	[bflag:$0x3] =	sbarrier.arrive $0xFFFF  }
0x109: {  	_ =	shalt  }

</sc_bundles>
